<compile_context>
chip_gen: v7x
topology: tpu7x:2x2x1
jax: 0.10.2.dev20260603
libtpu: 0.0.44.dev20260713+nightly
codegen_flags: <defaults>
</compile_context>

<pallas_src>
import functools

import jax
import jax.numpy as jnp
from jax import lax
from jax.experimental import pallas as pl
from jax.experimental.pallas import tpu as pltpu
from jax.experimental.pallas import tpu_sc as plsc

_INFO = plsc.get_sparse_core_info()
_NC = _INFO.num_cores
_NS = _INFO.num_subcores
_NW = _NC * _NS

_B = 4096 * 200
_D = 128
_V = 255
_GRP = 128
_ROWS = _B // _D
_GPW = _ROWS // _NW
_NBUF = 4
_NOUT = _GPW // _NBUF


def _body(x_hbm, tbl_hbm, out_hbm, idx_v, bufs, tbl_sh, gsem, wsem):
    sid = lax.axis_index("s")
    wid = sid * _NC + lax.axis_index("c")
    base = wid * _GPW

    @pl.when(sid == 0)
    def _():
        pltpu.sync_copy(tbl_hbm, tbl_sh)

    pltpu.sync_copy(x_hbm.at[pl.ds(base, _GPW)], idx_v)
    plsc.subcore_barrier()

    for b in range(_NBUF):
        pltpu.async_copy(tbl_sh.at[idx_v.at[b]], bufs.at[b], gsem.at[b])

    def outer(g, carry):
        for b in range(_NBUF):
            j = g * _NBUF + b
            pltpu.make_async_copy(
                tbl_sh.at[idx_v.at[b]], bufs.at[b], gsem.at[b]
            ).wait()
            dst = out_hbm.at[pl.ds((base + j) * _GRP, _GRP)]
            pltpu.async_copy(bufs.at[b], dst, wsem.at[b])

            @pl.when(g + 1 < _NOUT)
            def _():
                pltpu.make_async_copy(bufs.at[b], dst, wsem.at[b]).wait()
                pltpu.async_copy(
                    tbl_sh.at[idx_v.at[j + _NBUF]], bufs.at[b], gsem.at[b]
                )

        return carry

    lax.fori_loop(0, _NOUT, outer, 0)

    for b in range(_NBUF):
        j = _GPW - _NBUF + b
        pltpu.make_async_copy(
            bufs.at[b],
            out_hbm.at[pl.ds((base + j) * _GRP, _GRP)],
            wsem.at[b],
        ).wait()


@jax.jit
def _lookup(x2d, weight):
    k = pl.kernel(
        _body,
        out_type=jax.ShapeDtypeStruct((_B, _D), jnp.float32),
        mesh=plsc.VectorSubcoreMesh(core_axis_name="c", subcore_axis_name="s"),
        scratch_types=[
            pltpu.VMEM((_GPW, _GRP), jnp.int32),
            pltpu.VMEM((_NBUF, _GRP, _D), jnp.float32),
            pltpu.VMEM_SHARED((_V, _D), jnp.float32),
            pltpu.SemaphoreType.DMA((_NBUF,)),
            pltpu.SemaphoreType.DMA((_NBUF,)),
        ],
    )
    return k(x2d, weight)


def kernel(x_ns, weight):
    n, s = x_ns.shape
    x2d = x_ns.astype(jnp.int32).reshape(_ROWS, _GRP)
    out = _lookup(x2d, weight)
    return out.reshape(n, s, _D)

# --- scband reference (transcript-rebuilt; emitter-appended) ---
"""Pipeline reference for scband-aaembedder-72335839199827 (READ-ONLY COPY).

The authoritative reference and input builder live on the scoring server;
editing this copy changes nothing except your own understanding.
"""

import jax, jax.numpy as jnp
import numpy as np


def setup_inputs(seed: int = 0) -> dict:
    key = jax.random.key(seed)
    k1, k2 = jax.random.split(key)
    x_ns = jax.random.randint(k1, (4096, 200), 0, 255, dtype=jnp.int64)
    # nn.Embedding(255, 128) weight, N(0,1) init like torch default
    weight = jax.random.normal(k2, (255, 128), dtype=jnp.float32)
    return {"x_ns": x_ns, "weight": weight}


def reference(x_ns, weight):
    # Equivalent of nn.Embedding forward: gather rows of the table
    return jnp.take(weight, x_ns, axis=0)

if __name__ == "__main__":
    import jax
    _d = setup_inputs()
    print(jax.jit(kernel)(*tuple(_d.values())))

</pallas_src>

<mosaic_0001>
#map = affine_map<(d0, d1) -> (0, 0)>
module attributes {stable_mosaic.version = 14 : i64} {
  func.func @_body(%arg0: i32, %arg1: i32, %arg2: memref<6400x128xi32, #tpu.memory_space<hbm>>, %arg3: memref<255x128xf32, #tpu.memory_space<hbm>>, %arg4: memref<819200x128xf32, #tpu.memory_space<hbm>>, %arg5: memref<200x128xi32, #tpu.memory_space<vmem>>, %arg6: memref<4x128x128xf32, #tpu.memory_space<vmem>>, %arg7: memref<255x128xf32, #tpu.memory_space<vmem_shared>>, %arg8: memref<4x!tpu.dma_semaphore, #tpu.memory_space<semaphore_mem>>, %arg9: memref<4x!tpu.dma_semaphore, #tpu.memory_space<semaphore_mem>>) attributes {dimension_semantics = [#tpu.dimension_semantics<core_parallel>, #tpu.dimension_semantics<subcore_parallel>], iteration_bounds = array<i64: 2, 16>, scalar_prefetch = 0 : i64, scratch_operands = 5 : i64, tpu.core_type = #tpu.core_type<sc_vector_subcore>, window_params = [{transform_indices = #map}, {transform_indices = #map}, {transform_indices = #map}]} {
    %mul3A = arith.constant 2 : i32
    %mul3A_0 = arith.muli %arg1, %mul3A : i32
    %add3A = arith.addi %mul3A_0, %arg0 : i32
    %mul3A_1 = arith.constant 200 : i32
    %mul3A_2 = arith.muli %add3A, %mul3A_1 : i32
    %eq3A = arith.constant 0 : i32
    %eq3A_3 = arith.cmpi eq, %arg1, %eq3A : i32
    %convert_element_type3A = arith.extui %eq3A_3 : i1 to i32
    %cond3A = arith.constant 0 : i32
    %cond3A_4 = arith.cmpi ne, %convert_element_type3A, %cond3A : i32
    scf.if %cond3A_4 {
      "tpu.region"() ({
        %run_scoped3A = tpu.sem_alloc : memref<!tpu.dma_semaphore, #tpu.memory_space<semaphore_mem>>
        tpu.enqueue_dma source(%arg3 : memref<255x128xf32, #tpu.memory_space<hbm>>) target(%arg7 : memref<255x128xf32, #tpu.memory_space<vmem_shared>>) target_semaphore(%run_scoped3A : memref<!tpu.dma_semaphore, #tpu.memory_space<semaphore_mem>>)
        tpu.wait_dma2 semaphore(%run_scoped3A : memref<!tpu.dma_semaphore, #tpu.memory_space<semaphore_mem>>) src(%arg3 : memref<255x128xf32, #tpu.memory_space<hbm>>) dst(%arg7 : memref<255x128xf32, #tpu.memory_space<vmem_shared>>)
        tpu.yield
      }) : () -> ()
    } else {
    }
    "tpu.region"() ({
      %run_scoped3A = tpu.sem_alloc : memref<!tpu.dma_semaphore, #tpu.memory_space<semaphore_mem>>
      %dma_start3A_148 = arith.constant 0 : i32
      %dma_start3A_149 = tpu.memref_slice %arg2[%mul3A_2, %dma_start3A_148] : memref<6400x128xi32, #tpu.memory_space<hbm>> -> memref<200x128xi32, #tpu.memory_space<hbm>>
      %dma_start3A_150 = arith.constant 0 : i32
      %dma_start3A_151 = tpu.memref_slice %arg2[%mul3A_2, %dma_start3A_150] : memref<6400x128xi32, #tpu.memory_space<hbm>> -> memref<200x128xi32, #tpu.memory_space<hbm>>
      tpu.enqueue_dma source(%dma_start3A_151 : memref<200x128xi32, #tpu.memory_space<hbm>>) target(%arg5 : memref<200x128xi32, #tpu.memory_space<vmem>>) target_semaphore(%run_scoped3A : memref<!tpu.dma_semaphore, #tpu.memory_space<semaphore_mem>>)
      %dma_wait3A_152 = arith.constant 0 : i32
      %dma_wait3A_153 = tpu.memref_slice %arg2[%mul3A_2, %dma_wait3A_152] : memref<6400x128xi32, #tpu.memory_space<hbm>> -> memref<200x128xi32, #tpu.memory_space<hbm>>
      %dma_wait3A_154 = arith.constant 0 : i32
      %dma_wait3A_155 = tpu.memref_slice %arg2[%mul3A_2, %dma_wait3A_154] : memref<6400x128xi32, #tpu.memory_space<hbm>> -> memref<200x128xi32, #tpu.memory_space<hbm>>
      tpu.wait_dma2 semaphore(%run_scoped3A : memref<!tpu.dma_semaphore, #tpu.memory_space<semaphore_mem>>) src(%dma_wait3A_155 : memref<200x128xi32, #tpu.memory_space<hbm>>) dst(%arg5 : memref<200x128xi32, #tpu.memory_space<vmem>>)
      tpu.yield
    }) : () -> ()
    %barrier3A = arith.constant 0 : index
    tpu.barrier barrier_id(%barrier3A)
    %dma_start3A = arith.constant 0 : i32
    %dma_start3A_5 = arith.constant 0 : i32
    %dma_start3A_6 = arith.constant 0 : i32
    %dma_start3A_7 = arith.constant 0 : i32
    %dma_start3A_8 = arith.constant 0 : i32
    %dma_start3A_9 = tpu.memref_slice %arg6[%dma_start3A_5, %dma_start3A_7, %dma_start3A_8] : memref<4x128x128xf32, #tpu.memory_space<vmem>> -> memref<1x128x128xf32, #tpu.memory_space<vmem>>
    %dma_start3A_10 = tpu.memref_squeeze %dma_start3A_9 : memref<1x128x128xf32, #tpu.memory_space<vmem>> -> memref<128x128xf32, #tpu.memory_space<vmem>>
    %dma_start3A_11 = arith.constant 0 : i32
    %dma_start3A_12 = tpu.memref_slice %arg5[%dma_start3A, %dma_start3A_11] : memref<200x128xi32, #tpu.memory_space<vmem>> -> memref<1x128xi32, #tpu.memory_space<vmem>>
    %dma_start3A_13 = tpu.memref_squeeze %dma_start3A_12 : memref<1x128xi32, #tpu.memory_space<vmem>> -> memref<128xi32, #tpu.memory_space<vmem>>
    %dma_start3A_14 = arith.constant 0 : i32
    %dma_start3A_15 = arith.constant 0 : i32
    %dma_start3A_16 = tpu.memref_slice %arg7[%dma_start3A_14, %dma_start3A_15] : memref<255x128xf32, #tpu.memory_space<vmem_shared>> -> memref<255x128xf32, #tpu.memory_space<vmem_shared>>
    %dma_start3A_17 = tpu.memref_slice %arg8[%dma_start3A_6] : memref<4x!tpu.dma_semaphore, #tpu.memory_space<semaphore_mem>> -> memref<1x!tpu.dma_semaphore, #tpu.memory_space<semaphore_mem>>
    %dma_start3A_18 = tpu.memref_squeeze %dma_start3A_17 : memref<1x!tpu.dma_semaphore, #tpu.memory_space<semaphore_mem>> -> memref<!tpu.dma_semaphore, #tpu.memory_space<semaphore_mem>>
    tpu.enqueue_indirect_dma source(%dma_start3A_16 : memref<255x128xf32, #tpu.memory_space<vmem_shared>>) target(%dma_start3A_10 : memref<128x128xf32, #tpu.memory_space<vmem>>) offsets(%dma_start3A_13 : memref<128xi32, #tpu.memory_space<vmem>>) semaphore(%dma_start3A_18 : memref<!tpu.dma_semaphore, #tpu.memory_space<semaphore_mem>>)
    %dma_start3A_19 = arith.constant 1 : i32
    %dma_start3A_20 = arith.constant 1 : i32
    %dma_start3A_21 = arith.constant 1 : i32
    %dma_start3A_22 = arith.constant 0 : i32
    %dma_start3A_23 = arith.constant 0 : i32
    %dma_start3A_24 = tpu.memref_slice %arg6[%dma_start3A_20, %dma_start3A_22, %dma_start3A_23] : memref<4x128x128xf32, #tpu.memory_space<vmem>> -> memref<1x128x128xf32, #tpu.memory_space<vmem>>
    %dma_start3A_25 = tpu.memref_squeeze %dma_start3A_24 : memref<1x128x128xf32, #tpu.memory_space<vmem>> -> memref<128x128xf32, #tpu.memory_space<vmem>>
    %dma_start3A_26 = arith.constant 0 : i32
    %dma_start3A_27 = tpu.memref_slice %arg5[%dma_start3A_19, %dma_start3A_26] : memref<200x128xi32, #tpu.memory_space<vmem>> -> memref<1x128xi32, #tpu.memory_space<vmem>>
    %dma_start3A_28 = tpu.memref_squeeze %dma_start3A_27 : memref<1x128xi32, #tpu.memory_space<vmem>> -> memref<128xi32, #tpu.memory_space<vmem>>
    %dma_start3A_29 = arith.constant 0 : i32
    %dma_start3A_30 = arith.constant 0 : i32
    %dma_start3A_31 = tpu.memref_slice %arg7[%dma_start3A_29, %dma_start3A_30] : memref<255x128xf32, #tpu.memory_space<vmem_shared>> -> memref<255x128xf32, #tpu.memory_space<vmem_shared>>
    %dma_start3A_32 = tpu.memref_slice %arg8[%dma_start3A_21] : memref<4x!tpu.dma_semaphore, #tpu.memory_space<semaphore_mem>> -> memref<1x!tpu.dma_semaphore, #tpu.memory_space<semaphore_mem>>
    %dma_start3A_33 = tpu.memref_squeeze %dma_start3A_32 : memref<1x!tpu.dma_semaphore, #tpu.memory_space<semaphore_mem>> -> memref<!tpu.dma_semaphore, #tpu.memory_space<semaphore_mem>>
    tpu.enqueue_indirect_dma source(%dma_start3A_31 : memref<255x128xf32, #tpu.memory_space<vmem_shared>>) target(%dma_start3A_25 : memref<128x128xf32, #tpu.memory_space<vmem>>) offsets(%dma_start3A_28 : memref<128xi32, #tpu.memory_space<vmem>>) semaphore(%dma_start3A_33 : memref<!tpu.dma_semaphore, #tpu.memory_space<semaphore_mem>>)
    %dma_start3A_34 = arith.constant 2 : i32
    %dma_start3A_35 = arith.constant 2 : i32
    %dma_start3A_36 = arith.constant 2 : i32
    %dma_start3A_37 = arith.constant 0 : i32
    %dma_start3A_38 = arith.constant 0 : i32
    %dma_start3A_39 = tpu.memref_slice %arg6[%dma_start3A_35, %dma_start3A_37, %dma_start3A_38] : memref<4x128x128xf32, #tpu.memory_space<vmem>> -> memref<1x128x128xf32, #tpu.memory_space<vmem>>
    %dma_start3A_40 = tpu.memref_squeeze %dma_start3A_39 : memref<1x128x128xf32, #tpu.memory_space<vmem>> -> memref<128x128xf32, #tpu.memory_space<vmem>>
    %dma_start3A_41 = arith.constant 0 : i32
    %dma_start3A_42 = tpu.memref_slice %arg5[%dma_start3A_34, %dma_start3A_41] : memref<200x128xi32, #tpu.memory_space<vmem>> -> memref<1x128xi32, #tpu.memory_space<vmem>>
    %dma_start3A_43 = tpu.memref_squeeze %dma_start3A_42 : memref<1x128xi32, #tpu.memory_space<vmem>> -> memref<128xi32, #tpu.memory_space<vmem>>
    %dma_start3A_44 = arith.constant 0 : i32
    %dma_start3A_45 = arith.constant 0 : i32
    %dma_start3A_46 = tpu.memref_slice %arg7[%dma_start3A_44, %dma_start3A_45] : memref<255x128xf32, #tpu.memory_space<vmem_shared>> -> memref<255x128xf32, #tpu.memory_space<vmem_shared>>
    %dma_start3A_47 = tpu.memref_slice %arg8[%dma_start3A_36] : memref<4x!tpu.dma_semaphore, #tpu.memory_space<semaphore_mem>> -> memref<1x!tpu.dma_semaphore, #tpu.memory_space<semaphore_mem>>
    %dma_start3A_48 = tpu.memref_squeeze %dma_start3A_47 : memref<1x!tpu.dma_semaphore, #tpu.memory_space<semaphore_mem>> -> memref<!tpu.dma_semaphore, #tpu.memory_space<semaphore_mem>>
    tpu.enqueue_indirect_dma source(%dma_start3A_46 : memref<255x128xf32, #tpu.memory_space<vmem_shared>>) target(%dma_start3A_40 : memref<128x128xf32, #tpu.memory_space<vmem>>) offsets(%dma_start3A_43 : memref<128xi32, #tpu.memory_space<vmem>>) semaphore(%dma_start3A_48 : memref<!tpu.dma_semaphore, #tpu.memory_space<semaphore_mem>>)
    %dma_start3A_49 = arith.constant 3 : i32
    %dma_start3A_50 = arith.constant 3 : i32
    %dma_start3A_51 = arith.constant 3 : i32
    %dma_start3A_52 = arith.constant 0 : i32
    %dma_start3A_53 = arith.constant 0 : i32
    %dma_start3A_54 = tpu.memref_slice %arg6[%dma_start3A_50, %dma_start3A_52, %dma_start3A_53] : memref<4x128x128xf32, #tpu.memory_space<vmem>> -> memref<1x128x128xf32, #tpu.memory_space<vmem>>
    %dma_start3A_55 = tpu.memref_squeeze %dma_start3A_54 : memref<1x128x128xf32, #tpu.memory_space<vmem>> -> memref<128x128xf32, #tpu.memory_space<vmem>>
    %dma_start3A_56 = arith.constant 0 : i32
    %dma_start3A_57 = tpu.memref_slice %arg5[%dma_start3A_49, %dma_start3A_56] : memref<200x128xi32, #tpu.memory_space<vmem>> -> memref<1x128xi32, #tpu.memory_space<vmem>>
    %dma_start3A_58 = tpu.memref_squeeze %dma_start3A_57 : memref<1x128xi32, #tpu.memory_space<vmem>> -> memref<128xi32, #tpu.memory_space<vmem>>
    %dma_start3A_59 = arith.constant 0 : i32
    %dma_start3A_60 = arith.constant 0 : i32
    %dma_start3A_61 = tpu.memref_slice %arg7[%dma_start3A_59, %dma_start3A_60] : memref<255x128xf32, #tpu.memory_space<vmem_shared>> -> memref<255x128xf32, #tpu.memory_space<vmem_shared>>
    %dma_start3A_62 = tpu.memref_slice %arg8[%dma_start3A_51] : memref<4x!tpu.dma_semaphore, #tpu.memory_space<semaphore_mem>> -> memref<1x!tpu.dma_semaphore, #tpu.memory_space<semaphore_mem>>
    %dma_start3A_63 = tpu.memref_squeeze %dma_start3A_62 : memref<1x!tpu.dma_semaphore, #tpu.memory_space<semaphore_mem>> -> memref<!tpu.dma_semaphore, #tpu.memory_space<semaphore_mem>>
    tpu.enqueue_indirect_dma source(%dma_start3A_61 : memref<255x128xf32, #tpu.memory_space<vmem_shared>>) target(%dma_start3A_55 : memref<128x128xf32, #tpu.memory_space<vmem>>) offsets(%dma_start3A_58 : memref<128xi32, #tpu.memory_space<vmem>>) semaphore(%dma_start3A_63 : memref<!tpu.dma_semaphore, #tpu.memory_space<semaphore_mem>>)
    %scan3A = arith.constant 0 : i32
    %scan3A_64 = arith.constant 0 : i32
    %scan3A_65 = arith.constant 50 : i32
    %scan3A_66 = arith.addi %scan3A_64, %scan3A_65 : i32
    %scan3A_67 = arith.constant 1 : i32
    scf.for %scan3A_148 = %scan3A_64 to %scan3A_66 step %scan3A_67  : i32 {
      %mul3A_149 = arith.constant 4 : i32
      %mul3A_150 = arith.muli %scan3A_148, %mul3A_149 : i32
      %add3A_151 = arith.constant 0 : i32
      %add3A_152 = arith.addi %mul3A_150, %add3A_151 : i32
      %dma_wait3A_153 = arith.constant 0 : i32
      %dma_wait3A_154 = arith.constant 0 : i32
      %dma_wait3A_155 = arith.constant 0 : i32
      %dma_wait3A_156 = arith.constant 0 : i32
      %dma_wait3A_157 = arith.constant 0 : i32
      %dma_wait3A_158 = tpu.memref_slice %arg6[%dma_wait3A_154, %dma_wait3A_156, %dma_wait3A_157] : memref<4x128x128xf32, #tpu.memory_space<vmem>> -> memref<1x128x128xf32, #tpu.memory_space<vmem>>
      %dma_wait3A_159 = tpu.memref_squeeze %dma_wait3A_158 : memref<1x128x128xf32, #tpu.memory_space<vmem>> -> memref<128x128xf32, #tpu.memory_space<vmem>>
      %dma_wait3A_160 = arith.constant 0 : i32
      %dma_wait3A_161 = tpu.memref_slice %arg5[%dma_wait3A_153, %dma_wait3A_160] : memref<200x128xi32, #tpu.memory_space<vmem>> -> memref<1x128xi32, #tpu.memory_space<vmem>>
      %dma_wait3A_162 = tpu.memref_squeeze %dma_wait3A_161 : memref<1x128xi32, #tpu.memory_space<vmem>> -> memref<128xi32, #tpu.memory_space<vmem>>
      %dma_wait3A_163 = arith.constant 0 : i32
      %dma_wait3A_164 = arith.constant 0 : i32
      %dma_wait3A_165 = tpu.memref_slice %arg7[%dma_wait3A_163, %dma_wait3A_164] : memref<255x128xf32, #tpu.memory_space<vmem_shared>> -> memref<255x128xf32, #tpu.memory_space<vmem_shared>>
      %dma_wait3A_166 = tpu.memref_slice %arg8[%dma_wait3A_155] : memref<4x!tpu.dma_semaphore, #tpu.memory_space<semaphore_mem>> -> memref<1x!tpu.dma_semaphore, #tpu.memory_space<semaphore_mem>>
      %dma_wait3A_167 = tpu.memref_squeeze %dma_wait3A_166 : memref<1x!tpu.dma_semaphore, #tpu.memory_space<semaphore_mem>> -> memref<!tpu.dma_semaphore, #tpu.memory_space<semaphore_mem>>
      tpu.wait_indirect_dma semaphore(%dma_wait3A_167 : memref<!tpu.dma_semaphore, #tpu.memory_space<semaphore_mem>>) src(%dma_wait3A_165 : memref<255x128xf32, #tpu.memory_space<vmem_shared>>) dst(%dma_wait3A_159 : memref<128x128xf32, #tpu.memory_space<vmem>>)
      %add3A_168 = arith.addi %mul3A_2, %add3A_152 : i32
      %mul3A_169 = arith.constant 128 : i32
      %mul3A_170 = arith.muli %add3A_168, %mul3A_169 : i32
      %dma_start3A_171 = arith.constant 0 : i32
      %dma_start3A_172 = arith.constant 0 : i32
      %dma_start3A_173 = arith.constant 0 : i32
      %dma_start3A_174 = arith.constant 0 : i32
      %dma_start3A_175 = tpu.memref_slice %arg6[%dma_start3A_171, %dma_start3A_173, %dma_start3A_174] : memref<4x128x128xf32, #tpu.memory_space<vmem>> -> memref<1x128x128xf32, #tpu.memory_space<vmem>>
      %dma_start3A_176 = tpu.memref_squeeze %dma_start3A_175 : memref<1x128x128xf32, #tpu.memory_space<vmem>> -> memref<128x128xf32, #tpu.memory_space<vmem>>
      %dma_start3A_177 = arith.constant 0 : i32
      %dma_start3A_178 = tpu.memref_slice %arg4[%mul3A_170, %dma_start3A_177] : memref<819200x128xf32, #tpu.memory_space<hbm>> -> memref<128x128xf32, #tpu.memory_space<hbm>>
      %dma_start3A_179 = tpu.memref_slice %arg9[%dma_start3A_172] : memref<4x!tpu.dma_semaphore, #tpu.memory_space<semaphore_mem>> -> memref<1x!tpu.dma_semaphore, #tpu.memory_space<semaphore_mem>>
      %dma_start3A_180 = tpu.memref_squeeze %dma_start3A_179 : memref<1x!tpu.dma_semaphore, #tpu.memory_space<semaphore_mem>> -> memref<!tpu.dma_semaphore, #tpu.memory_space<semaphore_mem>>
      %dma_start3A_181 = arith.constant 0 : i32
      %dma_start3A_182 = tpu.memref_slice %arg4[%mul3A_170, %dma_start3A_181] : memref<819200x128xf32, #tpu.memory_space<hbm>> -> memref<128x128xf32, #tpu.memory_space<hbm>>
      %dma_start3A_183 = arith.constant 0 : i32
      %dma_start3A_184 = arith.constant 0 : i32
      %dma_start3A_185 = tpu.memref_slice %arg6[%dma_start3A_171, %dma_start3A_183, %dma_start3A_184] : memref<4x128x128xf32, #tpu.memory_space<vmem>> -> memref<1x128x128xf32, #tpu.memory_space<vmem>>
      %dma_start3A_186 = tpu.memref_squeeze %dma_start3A_185 : memref<1x128x128xf32, #tpu.memory_space<vmem>> -> memref<128x128xf32, #tpu.memory_space<vmem>>
      tpu.enqueue_dma source(%dma_start3A_186 : memref<128x128xf32, #tpu.memory_space<vmem>>) target(%dma_start3A_182 : memref<128x128xf32, #tpu.memory_space<hbm>>) target_semaphore(%dma_start3A_180 : memref<!tpu.dma_semaphore, #tpu.memory_space<semaphore_mem>>)
      %add3A_187 = arith.constant 1 : i32
      %add3A_188 = arith.addi %scan3A_148, %add3A_187 : i32
      %lt3A = arith.constant 50 : i32
      %lt3A_189 = arith.cmpi slt, %add3A_188, %lt3A : i32
      %convert_element_type3A_190 = arith.extui %lt3A_189 : i1 to i32
      %cond3A_191 = arith.constant 0 : i32
      %cond3A_192 = arith.cmpi ne, %convert_element_type3A_190, %cond3A_191 : i32
      scf.if %cond3A_192 {
        %dma_wait3A_328 = arith.constant 0 : i32
        %dma_wait3A_329 = arith.constant 0 : i32
        %dma_wait3A_330 = arith.constant 0 : i32
        %dma_wait3A_331 = arith.constant 0 : i32
        %dma_wait3A_332 = tpu.memref_slice %arg6[%dma_wait3A_328, %dma_wait3A_330, %dma_wait3A_331] : memref<4x128x128xf32, #tpu.memory_space<vmem>> -> memref<1x128x128xf32, #tpu.memory_space<vmem>>
        %dma_wait3A_333 = tpu.memref_squeeze %dma_wait3A_332 : memref<1x128x128xf32, #tpu.memory_space<vmem>> -> memref<128x128xf32, #tpu.memory_space<vmem>>
        %dma_wait3A_334 = arith.constant 0 : i32
        %dma_wait3A_335 = tpu.memref_slice %arg4[%mul3A_170, %dma_wait3A_334] : memref<819200x128xf32, #tpu.memory_space<hbm>> -> memref<128x128xf32, #tpu.memory_space<hbm>>
        %dma_wait3A_336 = tpu.memref_slice %arg9[%dma_wait3A_329] : memref<4x!tpu.dma_semaphore, #tpu.memory_space<semaphore_mem>> -> memref<1x!tpu.dma_semaphore, #tpu.memory_space<semaphore_mem>>
        %dma_wait3A_337 = tpu.memref_squeeze %dma_wait3A_336 : memref<1x!tpu.dma_semaphore, #tpu.memory_space<semaphore_mem>> -> memref<!tpu.dma_semaphore, #tpu.memory_space<semaphore_mem>>
        %dma_wait3A_338 = arith.constant 0 : i32
        %dma_wait3A_339 = tpu.memref_slice %arg4[%mul3A_170, %dma_wait3A_338] : memref<819200x128xf32, #tpu.memory_space<hbm>> -> memref<128x128xf32, #tpu.memory_space<hbm>>
        %dma_wait3A_340 = arith.constant 0 : i32
        %dma_wait3A_341 = arith.constant 0 : i32
        %dma_wait3A_342 = tpu.memref_slice %arg6[%dma_wait3A_328, %dma_wait3A_340, %dma_wait3A_341] : memref<4x128x128xf32, #tpu.memory_space<vmem>> -> memref<1x128x128xf32, #tpu.memory_space<vmem>>
        %dma_wait3A_343 = tpu.memref_squeeze %dma_wait3A_342 : memref<1x128x128xf32, #tpu.memory_space<vmem>> -> memref<128x128xf32, #tpu.memory_space<vmem>>
        tpu.wait_dma2 semaphore(%dma_wait3A_337 : memref<!tpu.dma_semaphore, #tpu.memory_space<semaphore_mem>>) src(%dma_wait3A_343 : memref<128x128xf32, #tpu.memory_space<vmem>>) dst(%dma_wait3A_339 : memref<128x128xf32, #tpu.memory_space<hbm>>)
        %add3A_344 = arith.constant 4 : i32
        %add3A_345 = arith.addi %add3A_152, %add3A_344 : i32
        %dma_start3A_346 = arith.constant 0 : i32
        %dma_start3A_347 = arith.constant 0 : i32
        %dma_start3A_348 = arith.constant 0 : i32
        %dma_start3A_349 = arith.constant 0 : i32
        %dma_start3A_350 = tpu.memref_slice %arg6[%dma_start3A_346, %dma_start3A_348, %dma_start3A_349] : memref<4x128x128xf32, #tpu.memory_space<vmem>> -> memref<1x128x128xf32, #tpu.memory_space<vmem>>
        %dma_start3A_351 = tpu.memref_squeeze %dma_start3A_350 : memref<1x128x128xf32, #tpu.memory_space<vmem>> -> memref<128x128xf32, #tpu.memory_space<vmem>>
        %dma_start3A_352 = arith.constant 0 : i32
        %dma_start3A_353 = tpu.memref_slice %arg5[%add3A_345, %dma_start3A_352] : memref<200x128xi32, #tpu.memory_space<vmem>> -> memref<1x128xi32, #tpu.memory_space<vmem>>
        %dma_start3A_354 = tpu.memref_squeeze %dma_start3A_353 : memref<1x128xi32, #tpu.memory_space<vmem>> -> memref<128xi32, #tpu.memory_space<vmem>>
        %dma_start3A_355 = arith.constant 0 : i32
        %dma_start3A_356 = arith.constant 0 : i32
        %dma_start3A_357 = tpu.memref_slice %arg7[%dma_start3A_355, %dma_start3A_356] : memref<255x128xf32, #tpu.memory_space<vmem_shared>> -> memref<255x128xf32, #tpu.memory_space<vmem_shared>>
        %dma_start3A_358 = tpu.memref_slice %arg8[%dma_start3A_347] : memref<4x!tpu.dma_semaphore, #tpu.memory_space<semaphore_mem>> -> memref<1x!tpu.dma_semaphore, #tpu.memory_space<semaphore_mem>>
        %dma_start3A_359 = tpu.memref_squeeze %dma_start3A_358 : memref<1x!tpu.dma_semaphore, #tpu.memory_space<semaphore_mem>> -> memref<!tpu.dma_semaphore, #tpu.memory_space<semaphore_mem>>
        tpu.enqueue_indirect_dma source(%dma_start3A_357 : memref<255x128xf32, #tpu.memory_space<vmem_shared>>) target(%dma_start3A_351 : memref<128x128xf32, #tpu.memory_space<vmem>>) offsets(%dma_start3A_354 : memref<128xi32, #tpu.memory_space<vmem>>) semaphore(%dma_start3A_359 : memref<!tpu.dma_semaphore, #tpu.memory_space<semaphore_mem>>)
      } else {
      }
      %mul3A_193 = arith.constant 4 : i32
      %mul3A_194 = arith.muli %scan3A_148, %mul3A_193 : i32
      %add3A_195 = arith.constant 1 : i32
      %add3A_196 = arith.addi %mul3A_194, %add3A_195 : i32
      %dma_wait3A_197 = arith.constant 1 : i32
      %dma_wait3A_198 = arith.constant 1 : i32
      %dma_wait3A_199 = arith.constant 1 : i32
      %dma_wait3A_200 = arith.constant 0 : i32
      %dma_wait3A_201 = arith.constant 0 : i32
      %dma_wait3A_202 = tpu.memref_slice %arg6[%dma_wait3A_198, %dma_wait3A_200, %dma_wait3A_201] : memref<4x128x128xf32, #tpu.memory_space<vmem>> -> memref<1x128x128xf32, #tpu.memory_space<vmem>>
      %dma_wait3A_203 = tpu.memref_squeeze %dma_wait3A_202 : memref<1x128x128xf32, #tpu.memory_space<vmem>> -> memref<128x128xf32, #tpu.memory_space<vmem>>
      %dma_wait3A_204 = arith.constant 0 : i32
      %dma_wait3A_205 = tpu.memref_slice %arg5[%dma_wait3A_197, %dma_wait3A_204] : memref<200x128xi32, #tpu.memory_space<vmem>> -> memref<1x128xi32, #tpu.memory_space<vmem>>
      %dma_wait3A_206 = tpu.memref_squeeze %dma_wait3A_205 : memref<1x128xi32, #tpu.memory_space<vmem>> -> memref<128xi32, #tpu.memory_space<vmem>>
      %dma_wait3A_207 = arith.constant 0 : i32
      %dma_wait3A_208 = arith.constant 0 : i32
      %dma_wait3A_209 = tpu.memref_slice %arg7[%dma_wait3A_207, %dma_wait3A_208] : memref<255x128xf32, #tpu.memory_space<vmem_shared>> -> memref<255x128xf32, #tpu.memory_space<vmem_shared>>
      %dma_wait3A_210 = tpu.memref_slice %arg8[%dma_wait3A_199] : memref<4x!tpu.dma_semaphore, #tpu.memory_space<semaphore_mem>> -> memref<1x!tpu.dma_semaphore, #tpu.memory_space<semaphore_mem>>
      %dma_wait3A_211 = tpu.memref_squeeze %dma_wait3A_210 : memref<1x!tpu.dma_semaphore, #tpu.memory_space<semaphore_mem>> -> memref<!tpu.dma_semaphore, #tpu.memory_space<semaphore_mem>>
      tpu.wait_indirect_dma semaphore(%dma_wait3A_211 : memref<!tpu.dma_semaphore, #tpu.memory_space<semaphore_mem>>) src(%dma_wait3A_209 : memref<255x128xf32, #tpu.memory_space<vmem_shared>>) dst(%dma_wait3A_203 : memref<128x128xf32, #tpu.memory_space<vmem>>)
      %add3A_212 = arith.addi %mul3A_2, %add3A_196 : i32
      %mul3A_213 = arith.constant 128 : i32
      %mul3A_214 = arith.muli %add3A_212, %mul3A_213 : i32
      %dma_start3A_215 = arith.constant 1 : i32
      %dma_start3A_216 = arith.constant 1 : i32
      %dma_start3A_217 = arith.constant 0 : i32
      %dma_start3A_218 = arith.constant 0 : i32
      %dma_start3A_219 = tpu.memref_slice %arg6[%dma_start3A_215, %dma_start3A_217, %dma_start3A_218] : memref<4x128x128xf32, #tpu.memory_space<vmem>> -> memref<1x128x128xf32, #tpu.memory_space<vmem>>
      %dma_start3A_220 = tpu.memref_squeeze %dma_start3A_219 : memref<1x128x128xf32, #tpu.memory_space<vmem>> -> memref<128x128xf32, #tpu.memory_space<vmem>>
      %dma_start3A_221 = arith.constant 0 : i32
      %dma_start3A_222 = tpu.memref_slice %arg4[%mul3A_214, %dma_start3A_221] : memref<819200x128xf32, #tpu.memory_space<hbm>> -> memref<128x128xf32, #tpu.memory_space<hbm>>
      %dma_start3A_223 = tpu.memref_slice %arg9[%dma_start3A_216] : memref<4x!tpu.dma_semaphore, #tpu.memory_space<semaphore_mem>> -> memref<1x!tpu.dma_semaphore, #tpu.memory_space<semaphore_mem>>
      %dma_start3A_224 = tpu.memref_squeeze %dma_start3A_223 : memref<1x!tpu.dma_semaphore, #tpu.memory_space<semaphore_mem>> -> memref<!tpu.dma_semaphore, #tpu.memory_space<semaphore_mem>>
      %dma_start3A_225 = arith.constant 0 : i32
      %dma_start3A_226 = tpu.memref_slice %arg4[%mul3A_214, %dma_start3A_225] : memref<819200x128xf32, #tpu.memory_space<hbm>> -> memref<128x128xf32, #tpu.memory_space<hbm>>
      %dma_start3A_227 = arith.constant 0 : i32
      %dma_start3A_228 = arith.constant 0 : i32
      %dma_start3A_229 = tpu.memref_slice %arg6[%dma_start3A_215, %dma_start3A_227, %dma_start3A_228] : memref<4x128x128xf32, #tpu.memory_space<vmem>> -> memref<1x128x128xf32, #tpu.memory_space<vmem>>
      %dma_start3A_230 = tpu.memref_squeeze %dma_start3A_229 : memref<1x128x128xf32, #tpu.memory_space<vmem>> -> memref<128x128xf32, #tpu.memory_space<vmem>>
      tpu.enqueue_dma source(%dma_start3A_230 : memref<128x128xf32, #tpu.memory_space<vmem>>) target(%dma_start3A_226 : memref<128x128xf32, #tpu.memory_space<hbm>>) target_semaphore(%dma_start3A_224 : memref<!tpu.dma_semaphore, #tpu.memory_space<semaphore_mem>>)
      %add3A_231 = arith.constant 1 : i32
      %add3A_232 = arith.addi %scan3A_148, %add3A_231 : i32
      %lt3A_233 = arith.constant 50 : i32
      %lt3A_234 = arith.cmpi slt, %add3A_232, %lt3A_233 : i32
      %convert_element_type3A_235 = arith.extui %lt3A_234 : i1 to i32
      %cond3A_236 = arith.constant 0 : i32
      %cond3A_237 = arith.cmpi ne, %convert_element_type3A_235, %cond3A_236 : i32
      scf.if %cond3A_237 {
        %dma_wait3A_328 = arith.constant 1 : i32
        %dma_wait3A_329 = arith.constant 1 : i32
        %dma_wait3A_330 = arith.constant 0 : i32
        %dma_wait3A_331 = arith.constant 0 : i32
        %dma_wait3A_332 = tpu.memref_slice %arg6[%dma_wait3A_328, %dma_wait3A_330, %dma_wait3A_331] : memref<4x128x128xf32, #tpu.memory_space<vmem>> -> memref<1x128x128xf32, #tpu.memory_space<vmem>>
        %dma_wait3A_333 = tpu.memref_squeeze %dma_wait3A_332 : memref<1x128x128xf32, #tpu.memory_space<vmem>> -> memref<128x128xf32, #tpu.memory_space<vmem>>
        %dma_wait3A_334 = arith.constant 0 : i32
        %dma_wait3A_335 = tpu.memref_slice %arg4[%mul3A_214, %dma_wait3A_334] : memref<819200x128xf32, #tpu.memory_space<hbm>> -> memref<128x128xf32, #tpu.memory_space<hbm>>
        %dma_wait3A_336 = tpu.memref_slice %arg9[%dma_wait3A_329] : memref<4x!tpu.dma_semaphore, #tpu.memory_space<semaphore_mem>> -> memref<1x!tpu.dma_semaphore, #tpu.memory_space<semaphore_mem>>
        %dma_wait3A_337 = tpu.memref_squeeze %dma_wait3A_336 : memref<1x!tpu.dma_semaphore, #tpu.memory_space<semaphore_mem>> -> memref<!tpu.dma_semaphore, #tpu.memory_space<semaphore_mem>>
        %dma_wait3A_338 = arith.constant 0 : i32
        %dma_wait3A_339 = tpu.memref_slice %arg4[%mul3A_214, %dma_wait3A_338] : memref<819200x128xf32, #tpu.memory_space<hbm>> -> memref<128x128xf32, #tpu.memory_space<hbm>>
        %dma_wait3A_340 = arith.constant 0 : i32
        %dma_wait3A_341 = arith.constant 0 : i32
        %dma_wait3A_342 = tpu.memref_slice %arg6[%dma_wait3A_328, %dma_wait3A_340, %dma_wait3A_341] : memref<4x128x128xf32, #tpu.memory_space<vmem>> -> memref<1x128x128xf32, #tpu.memory_space<vmem>>
        %dma_wait3A_343 = tpu.memref_squeeze %dma_wait3A_342 : memref<1x128x128xf32, #tpu.memory_space<vmem>> -> memref<128x128xf32, #tpu.memory_space<vmem>>
        tpu.wait_dma2 semaphore(%dma_wait3A_337 : memref<!tpu.dma_semaphore, #tpu.memory_space<semaphore_mem>>) src(%dma_wait3A_343 : memref<128x128xf32, #tpu.memory_space<vmem>>) dst(%dma_wait3A_339 : memref<128x128xf32, #tpu.memory_space<hbm>>)
        %add3A_344 = arith.constant 4 : i32
        %add3A_345 = arith.addi %add3A_196, %add3A_344 : i32
        %dma_start3A_346 = arith.constant 1 : i32
        %dma_start3A_347 = arith.constant 1 : i32
        %dma_start3A_348 = arith.constant 0 : i32
        %dma_start3A_349 = arith.constant 0 : i32
        %dma_start3A_350 = tpu.memref_slice %arg6[%dma_start3A_346, %dma_start3A_348, %dma_start3A_349] : memref<4x128x128xf32, #tpu.memory_space<vmem>> -> memref<1x128x128xf32, #tpu.memory_space<vmem>>
        %dma_start3A_351 = tpu.memref_squeeze %dma_start3A_350 : memref<1x128x128xf32, #tpu.memory_space<vmem>> -> memref<128x128xf32, #tpu.memory_space<vmem>>
        %dma_start3A_352 = arith.constant 0 : i32
        %dma_start3A_353 = tpu.memref_slice %arg5[%add3A_345, %dma_start3A_352] : memref<200x128xi32, #tpu.memory_space<vmem>> -> memref<1x128xi32, #tpu.memory_space<vmem>>
        %dma_start3A_354 = tpu.memref_squeeze %dma_start3A_353 : memref<1x128xi32, #tpu.memory_space<vmem>> -> memref<128xi32, #tpu.memory_space<vmem>>
        %dma_start3A_355 = arith.constant 0 : i32
        %dma_start3A_356 = arith.constant 0 : i32
        %dma_start3A_357 = tpu.memref_slice %arg7[%dma_start3A_355, %dma_start3A_356] : memref<255x128xf32, #tpu.memory_space<vmem_shared>> -> memref<255x128xf32, #tpu.memory_space<vmem_shared>>
        %dma_start3A_358 = tpu.memref_slice %arg8[%dma_start3A_347] : memref<4x!tpu.dma_semaphore, #tpu.memory_space<semaphore_mem>> -> memref<1x!tpu.dma_semaphore, #tpu.memory_space<semaphore_mem>>
        %dma_start3A_359 = tpu.memref_squeeze %dma_start3A_358 : memref<1x!tpu.dma_semaphore, #tpu.memory_space<semaphore_mem>> -> memref<!tpu.dma_semaphore, #tpu.memory_space<semaphore_mem>>
        tpu.enqueue_indirect_dma source(%dma_start3A_357 : memref<255x128xf32, #tpu.memory_space<vmem_shared>>) target(%dma_start3A_351 : memref<128x128xf32, #tpu.memory_space<vmem>>) offsets(%dma_start3A_354 : memref<128xi32, #tpu.memory_space<vmem>>) semaphore(%dma_start3A_359 : memref<!tpu.dma_semaphore, #tpu.memory_space<semaphore_mem>>)
      } else {
      }
      %mul3A_238 = arith.constant 4 : i32
      %mul3A_239 = arith.muli %scan3A_148, %mul3A_238 : i32
      %add3A_240 = arith.constant 2 : i32
      %add3A_241 = arith.addi %mul3A_239, %add3A_240 : i32
      %dma_wait3A_242 = arith.constant 2 : i32
      %dma_wait3A_243 = arith.constant 2 : i32
      %dma_wait3A_244 = arith.constant 2 : i32
      %dma_wait3A_245 = arith.constant 0 : i32
      %dma_wait3A_246 = arith.constant 0 : i32
      %dma_wait3A_247 = tpu.memref_slice %arg6[%dma_wait3A_243, %dma_wait3A_245, %dma_wait3A_246] : memref<4x128x128xf32, #tpu.memory_space<vmem>> -> memref<1x128x128xf32, #tpu.memory_space<vmem>>
      %dma_wait3A_248 = tpu.memref_squeeze %dma_wait3A_247 : memref<1x128x128xf32, #tpu.memory_space<vmem>> -> memref<128x128xf32, #tpu.memory_space<vmem>>
      %dma_wait3A_249 = arith.constant 0 : i32
      %dma_wait3A_250 = tpu.memref_slice %arg5[%dma_wait3A_242, %dma_wait3A_249] : memref<200x128xi32, #tpu.memory_space<vmem>> -> memref<1x128xi32, #tpu.memory_space<vmem>>
      %dma_wait3A_251 = tpu.memref_squeeze %dma_wait3A_250 : memref<1x128xi32, #tpu.memory_space<vmem>> -> memref<128xi32, #tpu.memory_space<vmem>>
      %dma_wait3A_252 = arith.constant 0 : i32
      %dma_wait3A_253 = arith.constant 0 : i32
      %dma_wait3A_254 = tpu.memref_slice %arg7[%dma_wait3A_252, %dma_wait3A_253] : memref<255x128xf32, #tpu.memory_space<vmem_shared>> -> memref<255x128xf32, #tpu.memory_space<vmem_shared>>
      %dma_wait3A_255 = tpu.memref_slice %arg8[%dma_wait3A_244] : memref<4x!tpu.dma_semaphore, #tpu.memory_space<semaphore_mem>> -> memref<1x!tpu.dma_semaphore, #tpu.memory_space<semaphore_mem>>
      %dma_wait3A_256 = tpu.memref_squeeze %dma_wait3A_255 : memref<1x!tpu.dma_semaphore, #tpu.memory_space<semaphore_mem>> -> memref<!tpu.dma_semaphore, #tpu.memory_space<semaphore_mem>>
      tpu.wait_indirect_dma semaphore(%dma_wait3A_256 : memref<!tpu.dma_semaphore, #tpu.memory_space<semaphore_mem>>) src(%dma_wait3A_254 : memref<255x128xf32, #tpu.memory_space<vmem_shared>>) dst(%dma_wait3A_248 : memref<128x128xf32, #tpu.memory_space<vmem>>)
      %add3A_257 = arith.addi %mul3A_2, %add3A_241 : i32
      %mul3A_258 = arith.constant 128 : i32
      %mul3A_259 = arith.muli %add3A_257, %mul3A_258 : i32
      %dma_start3A_260 = arith.constant 2 : i32
      %dma_start3A_261 = arith.constant 2 : i32
      %dma_start3A_262 = arith.constant 0 : i32
      %dma_start3A_263 = arith.constant 0 : i32
      %dma_start3A_264 = tpu.memref_slice %arg6[%dma_start3A_260, %dma_start3A_262, %dma_start3A_263] : memref<4x128x128xf32, #tpu.memory_space<vmem>> -> memref<1x128x128xf32, #tpu.memory_space<vmem>>
      %dma_start3A_265 = tpu.memref_squeeze %dma_start3A_264 : memref<1x128x128xf32, #tpu.memory_space<vmem>> -> memref<128x128xf32, #tpu.memory_space<vmem>>
      %dma_start3A_266 = arith.constant 0 : i32
      %dma_start3A_267 = tpu.memref_slice %arg4[%mul3A_259, %dma_start3A_266] : memref<819200x128xf32, #tpu.memory_space<hbm>> -> memref<128x128xf32, #tpu.memory_space<hbm>>
      %dma_start3A_268 = tpu.memref_slice %arg9[%dma_start3A_261] : memref<4x!tpu.dma_semaphore, #tpu.memory_space<semaphore_mem>> -> memref<1x!tpu.dma_semaphore, #tpu.memory_space<semaphore_mem>>
      %dma_start3A_269 = tpu.memref_squeeze %dma_start3A_268 : memref<1x!tpu.dma_semaphore, #tpu.memory_space<semaphore_mem>> -> memref<!tpu.dma_semaphore, #tpu.memory_space<semaphore_mem>>
      %dma_start3A_270 = arith.constant 0 : i32
      %dma_start3A_271 = tpu.memref_slice %arg4[%mul3A_259, %dma_start3A_270] : memref<819200x128xf32, #tpu.memory_space<hbm>> -> memref<128x128xf32, #tpu.memory_space<hbm>>
      %dma_start3A_272 = arith.constant 0 : i32
      %dma_start3A_273 = arith.constant 0 : i32
      %dma_start3A_274 = tpu.memref_slice %arg6[%dma_start3A_260, %dma_start3A_272, %dma_start3A_273] : memref<4x128x128xf32, #tpu.memory_space<vmem>> -> memref<1x128x128xf32, #tpu.memory_space<vmem>>
      %dma_start3A_275 = tpu.memref_squeeze %dma_start3A_274 : memref<1x128x128xf32, #tpu.memory_space<vmem>> -> memref<128x128xf32, #tpu.memory_space<vmem>>
      tpu.enqueue_dma source(%dma_start3A_275 : memref<128x128xf32, #tpu.memory_space<vmem>>) target(%dma_start3A_271 : memref<128x128xf32, #tpu.memory_space<hbm>>) target_semaphore(%dma_start3A_269 : memref<!tpu.dma_semaphore, #tpu.memory_space<semaphore_mem>>)
      %add3A_276 = arith.constant 1 : i32
      %add3A_277 = arith.addi %scan3A_148, %add3A_276 : i32
      %lt3A_278 = arith.constant 50 : i32
      %lt3A_279 = arith.cmpi slt, %add3A_277, %lt3A_278 : i32
      %convert_element_type3A_280 = arith.extui %lt3A_279 : i1 to i32
      %cond3A_281 = arith.constant 0 : i32
      %cond3A_282 = arith.cmpi ne, %convert_element_type3A_280, %cond3A_281 : i32
      scf.if %cond3A_282 {
        %dma_wait3A_328 = arith.constant 2 : i32
        %dma_wait3A_329 = arith.constant 2 : i32
        %dma_wait3A_330 = arith.constant 0 : i32
        %dma_wait3A_331 = arith.constant 0 : i32
        %dma_wait3A_332 = tpu.memref_slice %arg6[%dma_wait3A_328, %dma_wait3A_330, %dma_wait3A_331] : memref<4x128x128xf32, #tpu.memory_space<vmem>> -> memref<1x128x128xf32, #tpu.memory_space<vmem>>
        %dma_wait3A_333 = tpu.memref_squeeze %dma_wait3A_332 : memref<1x128x128xf32, #tpu.memory_space<vmem>> -> memref<128x128xf32, #tpu.memory_space<vmem>>
        %dma_wait3A_334 = arith.constant 0 : i32
        %dma_wait3A_335 = tpu.memref_slice %arg4[%mul3A_259, %dma_wait3A_334] : memref<819200x128xf32, #tpu.memory_space<hbm>> -> memref<128x128xf32, #tpu.memory_space<hbm>>
        %dma_wait3A_336 = tpu.memref_slice %arg9[%dma_wait3A_329] : memref<4x!tpu.dma_semaphore, #tpu.memory_space<semaphore_mem>> -> memref<1x!tpu.dma_semaphore, #tpu.memory_space<semaphore_mem>>
        %dma_wait3A_337 = tpu.memref_squeeze %dma_wait3A_336 : memref<1x!tpu.dma_semaphore, #tpu.memory_space<semaphore_mem>> -> memref<!tpu.dma_semaphore, #tpu.memory_space<semaphore_mem>>
        %dma_wait3A_338 = arith.constant 0 : i32
        %dma_wait3A_339 = tpu.memref_slice %arg4[%mul3A_259, %dma_wait3A_338] : memref<819200x128xf32, #tpu.memory_space<hbm>> -> memref<128x128xf32, #tpu.memory_space<hbm>>
        %dma_wait3A_340 = arith.constant 0 : i32
        %dma_wait3A_341 = arith.constant 0 : i32
        %dma_wait3A_342 = tpu.memref_slice %arg6[%dma_wait3A_328, %dma_wait3A_340, %dma_wait3A_341] : memref<4x128x128xf32, #tpu.memory_space<vmem>> -> memref<1x128x128xf32, #tpu.memory_space<vmem>>
        %dma_wait3A_343 = tpu.memref_squeeze %dma_wait3A_342 : memref<1x128x128xf32, #tpu.memory_space<vmem>> -> memref<128x128xf32, #tpu.memory_space<vmem>>
        tpu.wait_dma2 semaphore(%dma_wait3A_337 : memref<!tpu.dma_semaphore, #tpu.memory_space<semaphore_mem>>) src(%dma_wait3A_343 : memref<128x128xf32, #tpu.memory_space<vmem>>) dst(%dma_wait3A_339 : memref<128x128xf32, #tpu.memory_space<hbm>>)
        %add3A_344 = arith.constant 4 : i32
        %add3A_345 = arith.addi %add3A_241, %add3A_344 : i32
        %dma_start3A_346 = arith.constant 2 : i32
        %dma_start3A_347 = arith.constant 2 : i32
        %dma_start3A_348 = arith.constant 0 : i32
        %dma_start3A_349 = arith.constant 0 : i32
        %dma_start3A_350 = tpu.memref_slice %arg6[%dma_start3A_346, %dma_start3A_348, %dma_start3A_349] : memref<4x128x128xf32, #tpu.memory_space<vmem>> -> memref<1x128x128xf32, #tpu.memory_space<vmem>>
        %dma_start3A_351 = tpu.memref_squeeze %dma_start3A_350 : memref<1x128x128xf32, #tpu.memory_space<vmem>> -> memref<128x128xf32, #tpu.memory_space<vmem>>
        %dma_start3A_352 = arith.constant 0 : i32
        %dma_start3A_353 = tpu.memref_slice %arg5[%add3A_345, %dma_start3A_352] : memref<200x128xi32, #tpu.memory_space<vmem>> -> memref<1x128xi32, #tpu.memory_space<vmem>>
        %dma_start3A_354 = tpu.memref_squeeze %dma_start3A_353 : memref<1x128xi32, #tpu.memory_space<vmem>> -> memref<128xi32, #tpu.memory_space<vmem>>
        %dma_start3A_355 = arith.constant 0 : i32
        %dma_start3A_356 = arith.constant 0 : i32
        %dma_start3A_357 = tpu.memref_slice %arg7[%dma_start3A_355, %dma_start3A_356] : memref<255x128xf32, #tpu.memory_space<vmem_shared>> -> memref<255x128xf32, #tpu.memory_space<vmem_shared>>
        %dma_start3A_358 = tpu.memref_slice %arg8[%dma_start3A_347] : memref<4x!tpu.dma_semaphore, #tpu.memory_space<semaphore_mem>> -> memref<1x!tpu.dma_semaphore, #tpu.memory_space<semaphore_mem>>
        %dma_start3A_359 = tpu.memref_squeeze %dma_start3A_358 : memref<1x!tpu.dma_semaphore, #tpu.memory_space<semaphore_mem>> -> memref<!tpu.dma_semaphore, #tpu.memory_space<semaphore_mem>>
        tpu.enqueue_indirect_dma source(%dma_start3A_357 : memref<255x128xf32, #tpu.memory_space<vmem_shared>>) target(%dma_start3A_351 : memref<128x128xf32, #tpu.memory_space<vmem>>) offsets(%dma_start3A_354 : memref<128xi32, #tpu.memory_space<vmem>>) semaphore(%dma_start3A_359 : memref<!tpu.dma_semaphore, #tpu.memory_space<semaphore_mem>>)
      } else {
      }
      %mul3A_283 = arith.constant 4 : i32
      %mul3A_284 = arith.muli %scan3A_148, %mul3A_283 : i32
      %add3A_285 = arith.constant 3 : i32
      %add3A_286 = arith.addi %mul3A_284, %add3A_285 : i32
      %dma_wait3A_287 = arith.constant 3 : i32
      %dma_wait3A_288 = arith.constant 3 : i32
      %dma_wait3A_289 = arith.constant 3 : i32
      %dma_wait3A_290 = arith.constant 0 : i32
      %dma_wait3A_291 = arith.constant 0 : i32
      %dma_wait3A_292 = tpu.memref_slice %arg6[%dma_wait3A_288, %dma_wait3A_290, %dma_wait3A_291] : memref<4x128x128xf32, #tpu.memory_space<vmem>> -> memref<1x128x128xf32, #tpu.memory_space<vmem>>
      %dma_wait3A_293 = tpu.memref_squeeze %dma_wait3A_292 : memref<1x128x128xf32, #tpu.memory_space<vmem>> -> memref<128x128xf32, #tpu.memory_space<vmem>>
      %dma_wait3A_294 = arith.constant 0 : i32
      %dma_wait3A_295 = tpu.memref_slice %arg5[%dma_wait3A_287, %dma_wait3A_294] : memref<200x128xi32, #tpu.memory_space<vmem>> -> memref<1x128xi32, #tpu.memory_space<vmem>>
      %dma_wait3A_296 = tpu.memref_squeeze %dma_wait3A_295 : memref<1x128xi32, #tpu.memory_space<vmem>> -> memref<128xi32, #tpu.memory_space<vmem>>
      %dma_wait3A_297 = arith.constant 0 : i32
      %dma_wait3A_298 = arith.constant 0 : i32
      %dma_wait3A_299 = tpu.memref_slice %arg7[%dma_wait3A_297, %dma_wait3A_298] : memref<255x128xf32, #tpu.memory_space<vmem_shared>> -> memref<255x128xf32, #tpu.memory_space<vmem_shared>>
      %dma_wait3A_300 = tpu.memref_slice %arg8[%dma_wait3A_289] : memref<4x!tpu.dma_semaphore, #tpu.memory_space<semaphore_mem>> -> memref<1x!tpu.dma_semaphore, #tpu.memory_space<semaphore_mem>>
      %dma_wait3A_301 = tpu.memref_squeeze %dma_wait3A_300 : memref<1x!tpu.dma_semaphore, #tpu.memory_space<semaphore_mem>> -> memref<!tpu.dma_semaphore, #tpu.memory_space<semaphore_mem>>
      tpu.wait_indirect_dma semaphore(%dma_wait3A_301 : memref<!tpu.dma_semaphore, #tpu.memory_space<semaphore_mem>>) src(%dma_wait3A_299 : memref<255x128xf32, #tpu.memory_space<vmem_shared>>) dst(%dma_wait3A_293 : memref<128x128xf32, #tpu.memory_space<vmem>>)
      %add3A_302 = arith.addi %mul3A_2, %add3A_286 : i32
      %mul3A_303 = arith.constant 128 : i32
      %mul3A_304 = arith.muli %add3A_302, %mul3A_303 : i32
      %dma_start3A_305 = arith.constant 3 : i32
      %dma_start3A_306 = arith.constant 3 : i32
      %dma_start3A_307 = arith.constant 0 : i32
      %dma_start3A_308 = arith.constant 0 : i32
      %dma_start3A_309 = tpu.memref_slice %arg6[%dma_start3A_305, %dma_start3A_307, %dma_start3A_308] : memref<4x128x128xf32, #tpu.memory_space<vmem>> -> memref<1x128x128xf32, #tpu.memory_space<vmem>>
      %dma_start3A_310 = tpu.memref_squeeze %dma_start3A_309 : memref<1x128x128xf32, #tpu.memory_space<vmem>> -> memref<128x128xf32, #tpu.memory_space<vmem>>
      %dma_start3A_311 = arith.constant 0 : i32
      %dma_start3A_312 = tpu.memref_slice %arg4[%mul3A_304, %dma_start3A_311] : memref<819200x128xf32, #tpu.memory_space<hbm>> -> memref<128x128xf32, #tpu.memory_space<hbm>>
      %dma_start3A_313 = tpu.memref_slice %arg9[%dma_start3A_306] : memref<4x!tpu.dma_semaphore, #tpu.memory_space<semaphore_mem>> -> memref<1x!tpu.dma_semaphore, #tpu.memory_space<semaphore_mem>>
      %dma_start3A_314 = tpu.memref_squeeze %dma_start3A_313 : memref<1x!tpu.dma_semaphore, #tpu.memory_space<semaphore_mem>> -> memref<!tpu.dma_semaphore, #tpu.memory_space<semaphore_mem>>
      %dma_start3A_315 = arith.constant 0 : i32
      %dma_start3A_316 = tpu.memref_slice %arg4[%mul3A_304, %dma_start3A_315] : memref<819200x128xf32, #tpu.memory_space<hbm>> -> memref<128x128xf32, #tpu.memory_space<hbm>>
      %dma_start3A_317 = arith.constant 0 : i32
      %dma_start3A_318 = arith.constant 0 : i32
      %dma_start3A_319 = tpu.memref_slice %arg6[%dma_start3A_305, %dma_start3A_317, %dma_start3A_318] : memref<4x128x128xf32, #tpu.memory_space<vmem>> -> memref<1x128x128xf32, #tpu.memory_space<vmem>>
      %dma_start3A_320 = tpu.memref_squeeze %dma_start3A_319 : memref<1x128x128xf32, #tpu.memory_space<vmem>> -> memref<128x128xf32, #tpu.memory_space<vmem>>
      tpu.enqueue_dma source(%dma_start3A_320 : memref<128x128xf32, #tpu.memory_space<vmem>>) target(%dma_start3A_316 : memref<128x128xf32, #tpu.memory_space<hbm>>) target_semaphore(%dma_start3A_314 : memref<!tpu.dma_semaphore, #tpu.memory_space<semaphore_mem>>)
      %add3A_321 = arith.constant 1 : i32
      %add3A_322 = arith.addi %scan3A_148, %add3A_321 : i32
      %lt3A_323 = arith.constant 50 : i32
      %lt3A_324 = arith.cmpi slt, %add3A_322, %lt3A_323 : i32
      %convert_element_type3A_325 = arith.extui %lt3A_324 : i1 to i32
      %cond3A_326 = arith.constant 0 : i32
      %cond3A_327 = arith.cmpi ne, %convert_element_type3A_325, %cond3A_326 : i32
      scf.if %cond3A_327 {
        %dma_wait3A_328 = arith.constant 3 : i32
        %dma_wait3A_329 = arith.constant 3 : i32
        %dma_wait3A_330 = arith.constant 0 : i32
        %dma_wait3A_331 = arith.constant 0 : i32
        %dma_wait3A_332 = tpu.memref_slice %arg6[%dma_wait3A_328, %dma_wait3A_330, %dma_wait3A_331] : memref<4x128x128xf32, #tpu.memory_space<vmem>> -> memref<1x128x128xf32, #tpu.memory_space<vmem>>
        %dma_wait3A_333 = tpu.memref_squeeze %dma_wait3A_332 : memref<1x128x128xf32, #tpu.memory_space<vmem>> -> memref<128x128xf32, #tpu.memory_space<vmem>>
        %dma_wait3A_334 = arith.constant 0 : i32
        %dma_wait3A_335 = tpu.memref_slice %arg4[%mul3A_304, %dma_wait3A_334] : memref<819200x128xf32, #tpu.memory_space<hbm>> -> memref<128x128xf32, #tpu.memory_space<hbm>>
        %dma_wait3A_336 = tpu.memref_slice %arg9[%dma_wait3A_329] : memref<4x!tpu.dma_semaphore, #tpu.memory_space<semaphore_mem>> -> memref<1x!tpu.dma_semaphore, #tpu.memory_space<semaphore_mem>>
        %dma_wait3A_337 = tpu.memref_squeeze %dma_wait3A_336 : memref<1x!tpu.dma_semaphore, #tpu.memory_space<semaphore_mem>> -> memref<!tpu.dma_semaphore, #tpu.memory_space<semaphore_mem>>
        %dma_wait3A_338 = arith.constant 0 : i32
        %dma_wait3A_339 = tpu.memref_slice %arg4[%mul3A_304, %dma_wait3A_338] : memref<819200x128xf32, #tpu.memory_space<hbm>> -> memref<128x128xf32, #tpu.memory_space<hbm>>
        %dma_wait3A_340 = arith.constant 0 : i32
        %dma_wait3A_341 = arith.constant 0 : i32
        %dma_wait3A_342 = tpu.memref_slice %arg6[%dma_wait3A_328, %dma_wait3A_340, %dma_wait3A_341] : memref<4x128x128xf32, #tpu.memory_space<vmem>> -> memref<1x128x128xf32, #tpu.memory_space<vmem>>
        %dma_wait3A_343 = tpu.memref_squeeze %dma_wait3A_342 : memref<1x128x128xf32, #tpu.memory_space<vmem>> -> memref<128x128xf32, #tpu.memory_space<vmem>>
        tpu.wait_dma2 semaphore(%dma_wait3A_337 : memref<!tpu.dma_semaphore, #tpu.memory_space<semaphore_mem>>) src(%dma_wait3A_343 : memref<128x128xf32, #tpu.memory_space<vmem>>) dst(%dma_wait3A_339 : memref<128x128xf32, #tpu.memory_space<hbm>>)
        %add3A_344 = arith.constant 4 : i32
        %add3A_345 = arith.addi %add3A_286, %add3A_344 : i32
        %dma_start3A_346 = arith.constant 3 : i32
        %dma_start3A_347 = arith.constant 3 : i32
        %dma_start3A_348 = arith.constant 0 : i32
        %dma_start3A_349 = arith.constant 0 : i32
        %dma_start3A_350 = tpu.memref_slice %arg6[%dma_start3A_346, %dma_start3A_348, %dma_start3A_349] : memref<4x128x128xf32, #tpu.memory_space<vmem>> -> memref<1x128x128xf32, #tpu.memory_space<vmem>>
        %dma_start3A_351 = tpu.memref_squeeze %dma_start3A_350 : memref<1x128x128xf32, #tpu.memory_space<vmem>> -> memref<128x128xf32, #tpu.memory_space<vmem>>
        %dma_start3A_352 = arith.constant 0 : i32
        %dma_start3A_353 = tpu.memref_slice %arg5[%add3A_345, %dma_start3A_352] : memref<200x128xi32, #tpu.memory_space<vmem>> -> memref<1x128xi32, #tpu.memory_space<vmem>>
        %dma_start3A_354 = tpu.memref_squeeze %dma_start3A_353 : memref<1x128xi32, #tpu.memory_space<vmem>> -> memref<128xi32, #tpu.memory_space<vmem>>
        %dma_start3A_355 = arith.constant 0 : i32
        %dma_start3A_356 = arith.constant 0 : i32
        %dma_start3A_357 = tpu.memref_slice %arg7[%dma_start3A_355, %dma_start3A_356] : memref<255x128xf32, #tpu.memory_space<vmem_shared>> -> memref<255x128xf32, #tpu.memory_space<vmem_shared>>
        %dma_start3A_358 = tpu.memref_slice %arg8[%dma_start3A_347] : memref<4x!tpu.dma_semaphore, #tpu.memory_space<semaphore_mem>> -> memref<1x!tpu.dma_semaphore, #tpu.memory_space<semaphore_mem>>
        %dma_start3A_359 = tpu.memref_squeeze %dma_start3A_358 : memref<1x!tpu.dma_semaphore, #tpu.memory_space<semaphore_mem>> -> memref<!tpu.dma_semaphore, #tpu.memory_space<semaphore_mem>>
        tpu.enqueue_indirect_dma source(%dma_start3A_357 : memref<255x128xf32, #tpu.memory_space<vmem_shared>>) target(%dma_start3A_351 : memref<128x128xf32, #tpu.memory_space<vmem>>) offsets(%dma_start3A_354 : memref<128xi32, #tpu.memory_space<vmem>>) semaphore(%dma_start3A_359 : memref<!tpu.dma_semaphore, #tpu.memory_space<semaphore_mem>>)
      } else {
      }
    }
    %scan3A_68 = arith.constant 50 : i32
    %add3A_69 = arith.constant 196 : i32
    %add3A_70 = arith.addi %mul3A_2, %add3A_69 : i32
    %mul3A_71 = arith.constant 128 : i32
    %mul3A_72 = arith.muli %add3A_70, %mul3A_71 : i32
    %dma_wait3A = arith.constant 0 : i32
    %dma_wait3A_73 = arith.constant 0 : i32
    %dma_wait3A_74 = arith.constant 0 : i32
    %dma_wait3A_75 = arith.constant 0 : i32
    %dma_wait3A_76 = tpu.memref_slice %arg6[%dma_wait3A, %dma_wait3A_74, %dma_wait3A_75] : memref<4x128x128xf32, #tpu.memory_space<vmem>> -> memref<1x128x128xf32, #tpu.memory_space<vmem>>
    %dma_wait3A_77 = tpu.memref_squeeze %dma_wait3A_76 : memref<1x128x128xf32, #tpu.memory_space<vmem>> -> memref<128x128xf32, #tpu.memory_space<vmem>>
    %dma_wait3A_78 = arith.constant 0 : i32
    %dma_wait3A_79 = tpu.memref_slice %arg4[%mul3A_72, %dma_wait3A_78] : memref<819200x128xf32, #tpu.memory_space<hbm>> -> memref<128x128xf32, #tpu.memory_space<hbm>>
    %dma_wait3A_80 = tpu.memref_slice %arg9[%dma_wait3A_73] : memref<4x!tpu.dma_semaphore, #tpu.memory_space<semaphore_mem>> -> memref<1x!tpu.dma_semaphore, #tpu.memory_space<semaphore_mem>>
    %dma_wait3A_81 = tpu.memref_squeeze %dma_wait3A_80 : memref<1x!tpu.dma_semaphore, #tpu.memory_space<semaphore_mem>> -> memref<!tpu.dma_semaphore, #tpu.memory_space<semaphore_mem>>
    %dma_wait3A_82 = arith.constant 0 : i32
    %dma_wait3A_83 = tpu.memref_slice %arg4[%mul3A_72, %dma_wait3A_82] : memref<819200x128xf32, #tpu.memory_space<hbm>> -> memref<128x128xf32, #tpu.memory_space<hbm>>
    %dma_wait3A_84 = arith.constant 0 : i32
    %dma_wait3A_85 = arith.constant 0 : i32
    %dma_wait3A_86 = tpu.memref_slice %arg6[%dma_wait3A, %dma_wait3A_84, %dma_wait3A_85] : memref<4x128x128xf32, #tpu.memory_space<vmem>> -> memref<1x128x128xf32, #tpu.memory_space<vmem>>
    %dma_wait3A_87 = tpu.memref_squeeze %dma_wait3A_86 : memref<1x128x128xf32, #tpu.memory_space<vmem>> -> memref<128x128xf32, #tpu.memory_space<vmem>>
    tpu.wait_dma2 semaphore(%dma_wait3A_81 : memref<!tpu.dma_semaphore, #tpu.memory_space<semaphore_mem>>) src(%dma_wait3A_87 : memref<128x128xf32, #tpu.memory_space<vmem>>) dst(%dma_wait3A_83 : memref<128x128xf32, #tpu.memory_space<hbm>>)
    %add3A_88 = arith.constant 197 : i32
    %add3A_89 = arith.addi %mul3A_2, %add3A_88 : i32
    %mul3A_90 = arith.constant 128 : i32
    %mul3A_91 = arith.muli %add3A_89, %mul3A_90 : i32
    %dma_wait3A_92 = arith.constant 1 : i32
    %dma_wait3A_93 = arith.constant 1 : i32
    %dma_wait3A_94 = arith.constant 0 : i32
    %dma_wait3A_95 = arith.constant 0 : i32
    %dma_wait3A_96 = tpu.memref_slice %arg6[%dma_wait3A_92, %dma_wait3A_94, %dma_wait3A_95] : memref<4x128x128xf32, #tpu.memory_space<vmem>> -> memref<1x128x128xf32, #tpu.memory_space<vmem>>
    %dma_wait3A_97 = tpu.memref_squeeze %dma_wait3A_96 : memref<1x128x128xf32, #tpu.memory_space<vmem>> -> memref<128x128xf32, #tpu.memory_space<vmem>>
    %dma_wait3A_98 = arith.constant 0 : i32
    %dma_wait3A_99 = tpu.memref_slice %arg4[%mul3A_91, %dma_wait3A_98] : memref<819200x128xf32, #tpu.memory_space<hbm>> -> memref<128x128xf32, #tpu.memory_space<hbm>>
    %dma_wait3A_100 = tpu.memref_slice %arg9[%dma_wait3A_93] : memref<4x!tpu.dma_semaphore, #tpu.memory_space<semaphore_mem>> -> memref<1x!tpu.dma_semaphore, #tpu.memory_space<semaphore_mem>>
    %dma_wait3A_101 = tpu.memref_squeeze %dma_wait3A_100 : memref<1x!tpu.dma_semaphore, #tpu.memory_space<semaphore_mem>> -> memref<!tpu.dma_semaphore, #tpu.memory_space<semaphore_mem>>
    %dma_wait3A_102 = arith.constant 0 : i32
    %dma_wait3A_103 = tpu.memref_slice %arg4[%mul3A_91, %dma_wait3A_102] : memref<819200x128xf32, #tpu.memory_space<hbm>> -> memref<128x128xf32, #tpu.memory_space<hbm>>
    %dma_wait3A_104 = arith.constant 0 : i32
    %dma_wait3A_105 = arith.constant 0 : i32
    %dma_wait3A_106 = tpu.memref_slice %arg6[%dma_wait3A_92, %dma_wait3A_104, %dma_wait3A_105] : memref<4x128x128xf32, #tpu.memory_space<vmem>> -> memref<1x128x128xf32, #tpu.memory_space<vmem>>
    %dma_wait3A_107 = tpu.memref_squeeze %dma_wait3A_106 : memref<1x128x128xf32, #tpu.memory_space<vmem>> -> memref<128x128xf32, #tpu.memory_space<vmem>>
    tpu.wait_dma2 semaphore(%dma_wait3A_101 : memref<!tpu.dma_semaphore, #tpu.memory_space<semaphore_mem>>) src(%dma_wait3A_107 : memref<128x128xf32, #tpu.memory_space<vmem>>) dst(%dma_wait3A_103 : memref<128x128xf32, #tpu.memory_space<hbm>>)
    %add3A_108 = arith.constant 198 : i32
    %add3A_109 = arith.addi %mul3A_2, %add3A_108 : i32
    %mul3A_110 = arith.constant 128 : i32
    %mul3A_111 = arith.muli %add3A_109, %mul3A_110 : i32
    %dma_wait3A_112 = arith.constant 2 : i32
    %dma_wait3A_113 = arith.constant 2 : i32
    %dma_wait3A_114 = arith.constant 0 : i32
    %dma_wait3A_115 = arith.constant 0 : i32
    %dma_wait3A_116 = tpu.memref_slice %arg6[%dma_wait3A_112, %dma_wait3A_114, %dma_wait3A_115] : memref<4x128x128xf32, #tpu.memory_space<vmem>> -> memref<1x128x128xf32, #tpu.memory_space<vmem>>
    %dma_wait3A_117 = tpu.memref_squeeze %dma_wait3A_116 : memref<1x128x128xf32, #tpu.memory_space<vmem>> -> memref<128x128xf32, #tpu.memory_space<vmem>>
    %dma_wait3A_118 = arith.constant 0 : i32
    %dma_wait3A_119 = tpu.memref_slice %arg4[%mul3A_111, %dma_wait3A_118] : memref<819200x128xf32, #tpu.memory_space<hbm>> -> memref<128x128xf32, #tpu.memory_space<hbm>>
    %dma_wait3A_120 = tpu.memref_slice %arg9[%dma_wait3A_113] : memref<4x!tpu.dma_semaphore, #tpu.memory_space<semaphore_mem>> -> memref<1x!tpu.dma_semaphore, #tpu.memory_space<semaphore_mem>>
    %dma_wait3A_121 = tpu.memref_squeeze %dma_wait3A_120 : memref<1x!tpu.dma_semaphore, #tpu.memory_space<semaphore_mem>> -> memref<!tpu.dma_semaphore, #tpu.memory_space<semaphore_mem>>
    %dma_wait3A_122 = arith.constant 0 : i32
    %dma_wait3A_123 = tpu.memref_slice %arg4[%mul3A_111, %dma_wait3A_122] : memref<819200x128xf32, #tpu.memory_space<hbm>> -> memref<128x128xf32, #tpu.memory_space<hbm>>
    %dma_wait3A_124 = arith.constant 0 : i32
    %dma_wait3A_125 = arith.constant 0 : i32
    %dma_wait3A_126 = tpu.memref_slice %arg6[%dma_wait3A_112, %dma_wait3A_124, %dma_wait3A_125] : memref<4x128x128xf32, #tpu.memory_space<vmem>> -> memref<1x128x128xf32, #tpu.memory_space<vmem>>
    %dma_wait3A_127 = tpu.memref_squeeze %dma_wait3A_126 : memref<1x128x128xf32, #tpu.memory_space<vmem>> -> memref<128x128xf32, #tpu.memory_space<vmem>>
    tpu.wait_dma2 semaphore(%dma_wait3A_121 : memref<!tpu.dma_semaphore, #tpu.memory_space<semaphore_mem>>) src(%dma_wait3A_127 : memref<128x128xf32, #tpu.memory_space<vmem>>) dst(%dma_wait3A_123 : memref<128x128xf32, #tpu.memory_space<hbm>>)
    %add3A_128 = arith.constant 199 : i32
    %add3A_129 = arith.addi %mul3A_2, %add3A_128 : i32
    %mul3A_130 = arith.constant 128 : i32
    %mul3A_131 = arith.muli %add3A_129, %mul3A_130 : i32
    %dma_wait3A_132 = arith.constant 3 : i32
    %dma_wait3A_133 = arith.constant 3 : i32
    %dma_wait3A_134 = arith.constant 0 : i32
    %dma_wait3A_135 = arith.constant 0 : i32
    %dma_wait3A_136 = tpu.memref_slice %arg6[%dma_wait3A_132, %dma_wait3A_134, %dma_wait3A_135] : memref<4x128x128xf32, #tpu.memory_space<vmem>> -> memref<1x128x128xf32, #tpu.memory_space<vmem>>
    %dma_wait3A_137 = tpu.memref_squeeze %dma_wait3A_136 : memref<1x128x128xf32, #tpu.memory_space<vmem>> -> memref<128x128xf32, #tpu.memory_space<vmem>>
    %dma_wait3A_138 = arith.constant 0 : i32
    %dma_wait3A_139 = tpu.memref_slice %arg4[%mul3A_131, %dma_wait3A_138] : memref<819200x128xf32, #tpu.memory_space<hbm>> -> memref<128x128xf32, #tpu.memory_space<hbm>>
    %dma_wait3A_140 = tpu.memref_slice %arg9[%dma_wait3A_133] : memref<4x!tpu.dma_semaphore, #tpu.memory_space<semaphore_mem>> -> memref<1x!tpu.dma_semaphore, #tpu.memory_space<semaphore_mem>>
    %dma_wait3A_141 = tpu.memref_squeeze %dma_wait3A_140 : memref<1x!tpu.dma_semaphore, #tpu.memory_space<semaphore_mem>> -> memref<!tpu.dma_semaphore, #tpu.memory_space<semaphore_mem>>
    %dma_wait3A_142 = arith.constant 0 : i32
    %dma_wait3A_143 = tpu.memref_slice %arg4[%mul3A_131, %dma_wait3A_142] : memref<819200x128xf32, #tpu.memory_space<hbm>> -> memref<128x128xf32, #tpu.memory_space<hbm>>
    %dma_wait3A_144 = arith.constant 0 : i32
    %dma_wait3A_145 = arith.constant 0 : i32
    %dma_wait3A_146 = tpu.memref_slice %arg6[%dma_wait3A_132, %dma_wait3A_144, %dma_wait3A_145] : memref<4x128x128xf32, #tpu.memory_space<vmem>> -> memref<1x128x128xf32, #tpu.memory_space<vmem>>
    %dma_wait3A_147 = tpu.memref_squeeze %dma_wait3A_146 : memref<1x128x128xf32, #tpu.memory_space<vmem>> -> memref<128x128xf32, #tpu.memory_space<vmem>>
    tpu.wait_dma2 semaphore(%dma_wait3A_141 : memref<!tpu.dma_semaphore, #tpu.memory_space<semaphore_mem>>) src(%dma_wait3A_147 : memref<128x128xf32, #tpu.memory_space<vmem>>) dst(%dma_wait3A_143 : memref<128x128xf32, #tpu.memory_space<hbm>>)
    return
  }
}

</mosaic_0001>

<sc_bundles>
// kernel: _lookup.3.cloned.1.call-start
scs
__scs_entry_jumppad:
0x0: {  	(pc) =	sbr.rel $0x88, $3  }
0x1: {  	(tag) =	ssettag $0x0;
	lr =	simm.s32 $0x1  }
0x2: {  	[smem:$0x3F9F] =	sst lr;
	_ =	strace $0xD0000000  }
0x3: {  	_ = 	snop  }
0x4: {  	_ = 	snop  }
0x5: {  	_ = 	snop  }
0x6: {  	_ = 	snop  }
0x7: {  	_ = 	snop  }
__scs_overlays_trampoline_lowered:
0x8: {  	[smem:$0x3FAE] =	sst s0  }
0x9: {  	[smem:$0x3FAF] =	sst s1  }
0xa: {  	[smem:$0x3FB0] =	sst s2  }
0xb: {  	[smem:$0x3FB1] =	sst s3  }
0xc: {  	[smem:$0x3FB2] =	sst s4  }
0xd: {  	[smem:$0x3FB3] =	sst s5  }
0xe: {  	[smem:$0x3FB4] =	sst s6  }
0xf: {  	[smem:$0x3FB5] =	sst s7  }
0x10: {  	[smem:$0x3FB6] =	sst s8  }
0x11: {  	[smem:$0x3FB7] =	sst s9;
	s0 =	simm.s32 @!p0 $0x0  }
0x12: {  	s1 =	sld [smem:$0x3F9D];
	s0 =	simm.s32 @p0 $0x1  }
0x13: {  	[smem:$0x3FB8] =	sst s0;
	s0 =	simm.s32 @!p1 $0x0  }
0x14: {  	s2 =	sld [smem:$0x3F9C];
	s0 =	simm.s32 @p1 $0x1  }
0x15: {  	[smem:$0x3FB9] =	sst s0;
	s0 =	simm.s32 @!p2 $0x0  }
0x16: {  	s3 =	sld [smem:$0x3FDB];
	s0 =	simm.s32 @p2 $0x1  }
0x17: {  	s4 =	simm.s32 $0x1BF5;
	[smem:$0x3FBB] =	sst s0  }
0x18: {  	s0 =	sld [smem:$0x3F9E];
	_ =	swait.ge [sflag:s4], $0x0  }
0x19: {  	s7 =	sld [smem:$0x3F9F]  }
0x1a: {  	s8 =	sadd.s32 $0xFFFFE003, lr  }
0x1b: {  	s9 =	sadd.s32 $0xFFFFFEF7, lr;
	s5 =	simm.s32 $0xFFFFFFFF;
	p2 =	slt.u32 s8, $0xFFFFF086  }
0x1c: {  	p1 =	slt.u32 s9, $0xF7A;
	s5 =	simm.s32 @!p2 $0x0  }
0x1d: {  	s5 =	simm.s32 @p1 $0x1;
	p0 =	seq.s32 s7, s2  }
0x1e: {  	s7 =	smul.u32 @!p0 $0xF7A, s2;
	p2 =	seq.s32 @!p0 s5, $0x0  }
0x1f: {  	s9 =	smul.u32 $0xF7A, s1;
	s8 =	simm.s32 @!p0 $0x1BF5;
	p2 =	por !p2, p0  }
0x20: {  	[sflag:s8] =	ssyncset.s32 @!p0 $0xFFFFF086;
	s6 =	sadd.s32 @!p0 s3, s7;
	s7 =	simm.s32 @!p0 $0x108  }
0x21: {  	s3 =	sadd.s32 s3, s9;
	s6 =	sadd.s32 @!p0 $0x88, s6;
	s7 =	simm.s32 @p2 $0x1082  }
0x22: {  	[simem:s7], [sflag:s8] =	dma.local @!p0 [hbm:s6], $0xF7A  }
0x23: {  	s9 =	sor.u32 $0xD0000000, s2;
	s6 =	simm.s32 $0x108;
	_ =	swait.ge @!p0 [sflag:s8], $0x0  }
0x24: {  	s3 =	sadd.s32 $0x88, s3;
	s6 =	simm.s32 @!p1 $0x1082;
	[sflag:s4] =	ssyncset.s32 $0xFFFFF086  }
0x25: {  	[simem:s6], [sflag:s4] =	dma.local [hbm:s3], $0xF7A  }
0x26: {  	[smem:$0x3F9F] =	sst s1;
	(tag) =	ssettag s2;
	_ =	strace s9  }
0x27: {  	s1 =	sld [smem:$0x3FAF]  }
0x28: {  	s2 =	sld [smem:$0x3FB0]  }
0x29: {  	s4 =	sld [smem:$0x3FB2]  }
0x2a: {  	p0 =	seq.s32 s5, $0x0;
	s5 =	sld [smem:$0x3FB3]  }
0x2b: {  	s6 =	sld [smem:$0x3FB4]  }
0x2c: {  	s7 =	sld [smem:$0x3FB5]  }
0x2d: {  	s3 =	simm.s32 $0x108;
	s8 =	sld [smem:$0x3FB6]  }
0x2e: {  	s3 =	simm.s32 @!p0 $0x1082;
	s9 =	sld [smem:$0x3FB7]  }
0x2f: {  	lr =	sadd.s32 s0, s3;
	s0 =	sld [smem:$0x3FAE]  }
0x30: {  	s3 =	sld [smem:$0x3FB1]  }
0x31: {  	[smem:$0x3FBA] =	sst s10  }
0x32: {  	s10 =	sld [smem:$0x3FB8];
	_ =	sdelay $0x3  }
0x33: {  	p0 =	seq.s32 s10, $0x1;
	s10 =	sld [smem:$0x3FBA];
	_ =	sdelay $0x3  }
0x34: {  	[smem:$0x3FBA] =	sst s10  }
0x35: {  	s10 =	sld [smem:$0x3FB9];
	_ =	sdelay $0x3  }
0x36: {  	p1 =	seq.s32 s10, $0x1;
	s10 =	sld [smem:$0x3FBA];
	_ =	sdelay $0x3  }
0x37: {  	[smem:$0x3FBA] =	sst s10  }
0x38: {  	s10 =	sld [smem:$0x3FBB]  }
0x39: {  	_ = 	snop;
	(pc) =	sbr.ind lr, $3  }
0x3a: {  	_ = 	snop  }
0x3b: {  	_ = 	snop  }
0x3c: {  	p2 =	seq.s32 s10, $0x1;
	s10 =	sld [smem:$0x3FBA]  }
0x3d: {  	_ =	shalt  }
0x3e: {  	_ =	shalt  }
0x3f: {  	_ =	shalt  }
0x40: {  	_ =	shalt  }
0x41: {  	_ =	shalt  }
0x42: {  	_ =	shalt  }
0x43: {  	_ =	shalt  }
0x44: {  	_ =	shalt  }
0x45: {  	_ =	shalt  }
0x46: {  	_ =	shalt  }
0x47: {  	_ =	shalt  }
0x48: {  	_ =	shalt  }
0x49: {  	_ =	shalt  }
0x4a: {  	_ =	shalt  }
0x4b: {  	_ =	shalt  }
0x4c: {  	_ =	shalt  }
0x4d: {  	_ =	shalt  }
0x4e: {  	_ =	shalt  }
0x4f: {  	_ =	shalt  }
0x50: {  	_ =	shalt  }
0x51: {  	_ =	shalt  }
0x52: {  	_ =	shalt  }
0x53: {  	_ =	shalt  }
0x54: {  	_ =	shalt  }
0x55: {  	_ =	shalt  }
0x56: {  	_ =	shalt  }
0x57: {  	_ =	shalt  }
0x58: {  	_ =	shalt  }
0x59: {  	_ =	shalt  }
0x5a: {  	_ =	shalt  }
0x5b: {  	_ =	shalt  }
0x5c: {  	_ =	shalt  }
0x5d: {  	_ =	shalt  }
0x5e: {  	_ =	shalt  }
0x5f: {  	_ =	shalt  }
0x60: {  	_ =	shalt  }
0x61: {  	_ =	shalt  }
0x62: {  	_ =	shalt  }
0x63: {  	_ =	shalt  }
0x64: {  	_ =	shalt  }
0x65: {  	_ =	shalt  }
0x66: {  	_ =	shalt  }
0x67: {  	_ =	shalt  }
0x68: {  	_ =	shalt  }
0x69: {  	_ =	shalt  }
0x6a: {  	_ =	shalt  }
0x6b: {  	_ =	shalt  }
0x6c: {  	_ =	shalt  }
0x6d: {  	_ =	shalt  }
0x6e: {  	_ =	shalt  }
0x6f: {  	_ =	shalt  }
0x70: {  	_ =	shalt  }
0x71: {  	_ =	shalt  }
0x72: {  	_ =	shalt  }
0x73: {  	_ =	shalt  }
0x74: {  	_ =	shalt  }
0x75: {  	_ =	shalt  }
0x76: {  	_ =	shalt  }
0x77: {  	_ =	shalt  }
0x78: {  	_ =	shalt  }
0x79: {  	_ =	shalt  }
0x7a: {  	_ =	shalt  }
0x7b: {  	_ =	shalt  }
0x7c: {  	_ =	shalt  }
0x7d: {  	_ =	shalt  }
0x7e: {  	_ =	shalt  }
0x7f: {  	_ =	shalt  }
0x80: {  	_ =	shalt  }
0x81: {  	_ =	shalt  }
0x82: {  	_ =	shalt  }
0x83: {  	_ =	shalt  }
0x84: {  	_ =	shalt  }
0x85: {  	_ =	shalt  }
0x86: {  	_ =	shalt  }
0x87: {  	_ =	shalt  }
.Lfunc_end0:
.L_simem_size_0:
called_computation_lowered:
.L_overlay_start_0:
0x88: {  	s2 =	sld [smem:$0x3FD9]  }
0x89: {  	s3 =	sld [smem:$0x3FFE];
	_ =	sdelay $0x1  }
0x8a: {  	s1 =	srdreg.scid  }
0x8b: {  	s0 =	sand.u32 $0x1, s1  }
0x8c: {  	s18 =	sshll.u32 s0, $0xA;
	s2 =	sadd.s32 s3, s2  }
0x8d: {  	s2 =	sadd.s32 s2, s18  }
0x8e: {  	[smem:$0x3FC6] =	sst s2  }
0x8f: {  	_ = 	snop  }
0x90: {  	s2 =	sld [smem:$0x3FC9]  }
0x91: {  	s19 =	sld [smem:$0x3FC8]  }
0x92: {  	s4 =	sld [smem:$0x3FD0];
	(tm) =	ssettm $0x1  }
0x93: {  	s5 =	sld [smem:$0x3FFB];
	_ =	sdelay $0x3  }
0x94: {  	_ =	strace s5  }
0x95: {  	s5 =	sld [smem:$0x3FFC];
	_ =	sdelay $0x3  }
0x96: {  	_ =	strace s5  }
0x97: {  	s5 =	sld [smem:$0x3FFD];
	_ =	sdelay $0x3  }
0x98: {  	_ =	strace s5  }
0x99: {  	_ =	strace $0x8FFFFFFF  }
0x9a: {  	s20 =	sld [smem:$0x3FDB];
	_ =	sdelay $0x1  }
0x9b: {  	s6 =	simm.s32 $_scs_section_size  }
0x9c: {  	s7 =	simm.s32 $_size__tile_overlayer_lowered;
	s8 =	simm.s32 $_tile_overlayer_lowered  }
0x9d: {  	s23 =	simm.s32 $0x1BFF;
	s22 =	sshll.u32 s8, $0x1;
	s5 =	sadd.s32 s6, s20  }
0x9e: {  	s9 =	simm.s32 $0x0;
	s21 =	sshll.u32 s7, $0x1;
	s7 =	sadd.s32 s22, s5  }
0x9f: {  	[timem:s9], [sflag:s23] =	dma.local [hbm:s7], s21  }
0xa0: {  	_ =	swait.ge [sflag:s23], s21  }
0xa1: {  	s6 =	ssub.s32 $0x0, s21;
	[sflag:s23] =	ssyncset.done $0x0  }
0xa2: {  	[sflag:s23] =	ssyncadd.s32 s6;
	_ =	sdelay $0x1  }
0xa3: {  	s24 =	simm.s32 $0x1B8B  }
0xa4: {  	_ =	swait.ge [sflag:s24], $0x1  }
0xa5: {  	[sflag:s24] =	ssyncset.done $0x0  }
0xa6: {  	s25 =	simm.s32 $0x1B8E;
	[sflag:s24] =	ssyncadd.s32 $0xFFFFFFFF  }
0xa7: {  	s26 =	simm.s32 $execute0_lowered;
	[smem:$0x3FD2] =	sst s25  }
0xa8: {  	s6 =	sshll.u32 s26, $0x1;
	_ =	strace $0x80000046;
	[dreg:$0x1] =	wrdreg $0xFFFFFFFF  }
0xa9: {  	s28 =	simm.s32 $_size_execute0_lowered;
	s5 =	sadd.s32 s5, s6;
	[dreg:$0x0] =	wrdreg $0x0  }
0xaa: {  	s6 =	sshll.u32 s28, $0x1;
	[dreg:$0x2] =	wrdreg s5  }
0xab: {  	[dreg:$0x3] =	wrdreg s6  }
0xac: {  	[dreg:$0x4] =	wrdreg $0xC0  }
0xad: {  	_ =	task [dreg:s9], $0x5FFFF  }
0xae: {  	[dreg:$0x1] =	wrdreg $0xFFFFFFFF  }
0xaf: {  	[dreg:$0x0] =	wrdreg $0x60  }
0xb0: {  	[dreg:$0x2] =	wrdreg s2  }
0xb1: {  	[dreg:$0x3] =	wrdreg s19  }
0xb2: {  	[dreg:$0x4] =	wrdreg s4  }
0xb3: {  	[dreg:$0x5] =	wrdreg $0x164000  }
0xb4: {  	[dreg:$0x6] =	wrdreg $0x9  }
0xb5: {  	_ =	task.clear_ibuf [dreg:s9], $0x7FFFF;
	_ =	strace $0x90000046  }
0xb6: {  	s29 =	simm.s32 $0x9;
	_ =	strace $0x80000048  }
0xb7: {  	_ =	swait.ge [sflag:s29], $0x1  }
0xb8: {  	[sflag:s29] =	ssyncadd.s32 $0xFFFFFFFF  }
0xb9: {  	_ =	strace $0x90000048  }
0xba: {  	_ =	sfence  }
0xbb: {  	s30 =	sld [smem:$0x0];
	_ =	sdelay $0x2  }
0xbc: {  	s31 =	sshll.u32 s1, $0xD;
	s1 =	sshrl.u32 s1, $0x2  }
0xbd: {  	s3 =	sand.u32 $0x4000, s31;
	s1 =	sadd.s32 s1, s30  }
0xbe: {  	s0 =	sor.u32 s3, s0;
	s1 =	sshll.u32 s1, $0x11  }
0xbf: {  	s0 =	sor.u32 s1, s0  }
0xc0: {  	s0 =	sadd.s32 $0x8F2B, s0  }
0xc1: {  	[sflag:s0] =	ssyncadd.remote.s32 $0x1  }
0xc2: {  	_ =	sfence.sel $0xFFFF  }
0xc3: {  	[dreg:$0x0] =	wrdreg $0xFFFFFFFF;
	(pc) =	sbr.abs _section_cstart, $3  }
0xc4: {  	[dreg:$0x1] =	wrdreg $0xFFFFFFFF  }
0xc5: {  	_ =	task.clear_ibuf [dreg:s9], $0x2FFFF;
	_ =	strace $0x9FFFFFFF  }
0xc6: {  	(tm) =	ssettm $0x7FFFFFFF  }
0xc7: {  	_ =	shalt  }
tec
execute0_lowered:
.L_overlay_start_1:
0x0: {  	(tag) =	ssettag $0x1  }
0x1: {  	s4 =	rddreg [dreg:$0x0]  }
0x2: {  	s7 =	rddreg [dreg:$0x2]  }
0x3: {  	s2 =	rddreg [dreg:$0x3]  }
0x4: {  	s5 =	srdreg.scid;
	s9 =	stileid.u32;
	s3 =	simm.s32 $0x0  }
0x5: {  	s13 =	simm.s32 $0xA400;
	s15 =	simm.s32 $0xE400;
	s17 =	simm.s32 $0x12400  }
0x6: {  	s18 =	simm.s32 $0x1;
	s19 =	simm.s32 $0x2;
	s20 =	simm.s32 $0x3  }
0x7: {  	s21 =	simm.s32 $0x4;
	s22 =	simm.s32 $0x5;
	s23 =	simm.s32 $0x6  }
0x8: {  	s24 =	simm.s32 $0x7;
	s25 =	simm.s32 $0x8;
	s6 =	smul.u32 $0x190, s9  }
0x9: {  	s5 =	sand.u32 $0x1, s5;
	[smem:$0x7FF] =	sst s3;
	s28 =	smul.u32 $0xC8000, s9  }
0xa: {  	s8 =	sshll.u32 s9, $0x1;
	p0 =	sne.s32 s9, $0x0;
	s10 =	smul.u32 $0xC8, s5  }
0xb: {  	_ =	strace $0x80000047;
	s11 =	ssub.s32 $0x2, s5;
	s8 =	sor.u32 s5, s8  }
0xc: {  	s30 =	smul.u32 $0x64000, s5;
	s9 =	sshrl.u32 @!p0 s2, $0x3;
	s12 =	sshrl.u32 s11, $0x1  }
0xd: {  	s8 =	smul.u32 $0xC80, s8;
	s31 =	sadd.s32 s28, s7;
	s6 =	sadd.s32 s10, s6  }
0xe: {  	s26 =	ssub.s32 s11, s12;
	s10 =	simm.s32 $0x9;
	s11 =	simm.s32 $0x80  }
0xf: {  	s12 =	simm.s32 $0x6400;
	s6 =	sshll.u32 s6, $0xB;
	s4 =	sadd.s32 s4, s8  }
0x10: {  	s5 =	smax.u32 s26, $0x1;
	s8 =	sadd.s32 s30, s31;
	s29 =	sadd.s32 s6, s7  }
0x11: {  	s26 =	simm.s32 $0x0;
	s6 =	sadd.s32 $0x1800, s29;
	s7 =	sadd.s32 $0x1000, s29  }
.LBB2_1:
0x12: {  	s28 =	simm.s32 @!p0 $0x1C09;
	s0 =	rddreg [dreg:$0x1]  }
0x13: {  	[spmem:s9], [sflag:s28] =	dma.local @!p0 [hbm:s0], $0xFF0  }
0x14: {  	s28 =	simm.s32 @!p0 $0x9  }
0x15: {  	_ =	swait.ge @!p0 [sflag:s28], $0xFF0  }
0x16: {  	[sflag:s28] =	ssyncset.done @!p0 $0x0  }
0x17: {  	[sflag:s28] =	ssyncadd.s32 @!p0 $0xFFFFF010  }
0x18: {  	[tilespmem:s3], [sflag:$0x9] =	stream.linear.gather [hbm4b:s4+s3], $0x6400, $0x38;
	[tilespmem:$0x16BF8] =	vst v63  }
0x19: {  	_ =	swait.ge [sflag:s10], $0x6400  }
0x1a: {  	[sflag:s10] =	ssyncset.done $0x0  }
0x1b: {  	[sflag:s10] =	ssyncadd.s32 $0xFFFF9C00  }
0x1c: {  	[bflag:$0x0] =	sbarrier.arrive $0xFFFF  }
0x1d: {  	[tilespmem:s12], [sflag:$0x1] =	stream.indirect.gather [spmem:s2], $0x80, s3, s11, $0xb8;
	[tilespmem:$0x16BF8] =	vst v63  }
0x1e: {  	_ = 	snop  }
0x1f: {  	[tilespmem:s13], [sflag:$0x2] =	stream.indirect.gather [spmem:s2], $0x80, s11, s11, $0xb8;
	[tilespmem:$0x16BF8] =	vst v63  }
0x20: {  	s14 =	simm.s32 $0x100;
	s16 =	simm.s32 $0x180;
	s29 =	smov.u32 s7  }
0x21: {  	[tilespmem:s15], [sflag:$0x3] =	stream.indirect.gather [spmem:s2], $0x80, s14, s11, $0xb8;
	[tilespmem:$0x16BF8] =	vst v63  }
0x22: {  	s30 =	smov.u32 s6;
	s31 =	simm.s32 $0x0;
	s28 =	smov.u32 s8  }
0x23: {  	[tilespmem:s17], [sflag:$0x4] =	stream.indirect.gather [spmem:s2], $0x80, s16, s11, $0xb8;
	[tilespmem:$0x16BF8] =	vst v63  }
.LBB2_2:
0x24: {  	_ =	swait.ge [sflag:s18], $0x4000  }
0x25: {  	p1 =	seq.s32 s31, $0x18800;
	[sflag:s18] =	ssyncset.done $0x0  }
0x26: {  	s0 =	simm.s32 @!p1 $0x5;
	[sflag:s18] =	ssyncadd.s32 $0xFFFFC000  }
0x27: {  	[hbm4b:s28+s3] =	stream.linear.scatter [tilespmem:s12], [sflag:$0x5], $0x4000, $0x38;
	[tilespmem:$0x16BF8] =	vst v63  }
0x28: {  	_ =	swait.ge @!p1 [sflag:s0], $0x4000  }
0x29: {  	[sflag:s0] =	ssyncset.done @!p1 $0x0  }
0x2a: {  	[sflag:s0] =	ssyncadd.s32 @!p1 $0xFFFFC000;
	s0 =	sshra.s32 @!p1 s31, $0x2  }
0x2b: {  	s14 =	simm.s32 @!p1 $0x80;
	s16 =	simm.s32 @!p1 $0x6400;
	s1 =	sadd.s32 @!p1 $0x200, s0  }
0x2c: {  	[tilespmem:s16], [sflag:$0x1] =	stream.indirect.gather @!p1 [spmem:s2], $0x80, s1, s14, $0xb8;
	[tilespmem:$0x16BF8] =	vst v63  }
0x2d: {  	_ =	swait.ge [sflag:s19], $0x4000  }
0x2e: {  	[sflag:s19] =	ssyncset.done $0x0  }
0x2f: {  	s16 =	sadd.s32 $0xFFFFF000, s30;
	s1 =	simm.s32 @!p1 $0x6;
	[sflag:s19] =	ssyncadd.s32 $0xFFFFC000  }
0x30: {  	[hbm4b:s16+s3] =	stream.linear.scatter [tilespmem:s13], [sflag:$0x6], $0x4000, $0x38;
	[tilespmem:$0x16BF8] =	vst v63  }
0x31: {  	_ =	swait.ge @!p1 [sflag:s1], $0x4000  }
0x32: {  	[sflag:s1] =	ssyncset.done @!p1 $0x0  }
0x33: {  	s16 =	simm.s32 @!p1 $0xA400;
	[sflag:s1] =	ssyncadd.s32 @!p1 $0xFFFFC000;
	s1 =	sadd.s32 @!p1 $0x280, s0  }
0x34: {  	[tilespmem:s16], [sflag:$0x2] =	stream.indirect.gather @!p1 [spmem:s2], $0x80, s1, s14, $0xb8;
	[tilespmem:$0x16BF8] =	vst v63  }
0x35: {  	_ =	swait.ge [sflag:s20], $0x4000  }
0x36: {  	[sflag:s20] =	ssyncset.done $0x0  }
0x37: {  	s1 =	simm.s32 @!p1 $0x7;
	[sflag:s20] =	ssyncadd.s32 $0xFFFFC000  }
0x38: {  	[hbm4b:s29+s3] =	stream.linear.scatter [tilespmem:s15], [sflag:$0x7], $0x4000, $0x38;
	[tilespmem:$0x16BF8] =	vst v63  }
0x39: {  	_ =	swait.ge @!p1 [sflag:s1], $0x4000  }
0x3a: {  	[sflag:s1] =	ssyncset.done @!p1 $0x0  }
0x3b: {  	s16 =	simm.s32 @!p1 $0xE400;
	[sflag:s1] =	ssyncadd.s32 @!p1 $0xFFFFC000;
	s1 =	sadd.s32 @!p1 $0x300, s0  }
0x3c: {  	[tilespmem:s16], [sflag:$0x3] =	stream.indirect.gather @!p1 [spmem:s2], $0x80, s1, s14, $0xb8;
	[tilespmem:$0x16BF8] =	vst v63  }
0x3d: {  	s31 =	sadd.s32 @!p1 $0x800, s31;
	_ =	swait.ge [sflag:s21], $0x4000  }
0x3e: {  	p2 =	sne.s32 @!p1 s31, $0x19000;
	[sflag:s21] =	ssyncset.done $0x0  }
0x3f: {  	p2 =	por p1, !p2;
	[sflag:s21] =	ssyncadd.s32 $0xFFFFC000  }
0x40: {  	[hbm4b:s30+s3] =	stream.linear.scatter [tilespmem:s17], [sflag:$0x8], $0x4000, $0x38;
	[tilespmem:$0x16BF8] =	vst v63  }
.Ltmp0:
0x41: {  	s1 =	simm.s32 @!p1 $0x8;
	(pc) =	sbr.rel @!p2 .LBB2_2-.Ltmp0, $4  }
0x42: {  	s28 =	sadd.s32 @!p1 $0x2000, s28;
	_ =	swait.ge @!p1 [sflag:s1], $0x4000  }
0x43: {  	s29 =	sadd.s32 @!p1 $0x2000, s29;
	s0 =	sadd.s32 @!p1 $0x380, s0;
	[sflag:s1] =	ssyncset.done @!p1 $0x0  }
0x44: {  	s30 =	sadd.s32 @!p1 $0x2000, s30;
	[sflag:s1] =	ssyncadd.s32 @!p1 $0xFFFFC000;
	s1 =	simm.s32 @!p1 $0x12400  }
0x45: {  	[tilespmem:s1], [sflag:$0x4] =	stream.indirect.gather @!p1 [spmem:s2], $0x80, s0, s14, $0xb8;
	[tilespmem:$0x16BF8] =	vst v63  }
0x46: {  	_ =	swait.ge [sflag:s22], $0x4000  }
0x47: {  	[sflag:s22] =	ssyncset.done $0x0  }
0x48: {  	[sflag:s22] =	ssyncadd.s32 $0xFFFFC000  }
0x49: {  	_ =	swait.ge [sflag:s23], $0x4000  }
0x4a: {  	[sflag:s23] =	ssyncset.done $0x0  }
0x4b: {  	s26 =	sadd.s32 $0x1, s26;
	[sflag:s23] =	ssyncadd.s32 $0xFFFFC000  }
0x4c: {  	p1 =	sne.s32 s26, s5;
	_ =	swait.ge [sflag:s24], $0x4000  }
.Ltmp1:
0x4d: {  	[sflag:s24] =	ssyncset.done $0x0;
	(pc) =	sbr.rel @p1 .LBB2_1-.Ltmp1, $4  }
0x4e: {  	[sflag:s24] =	ssyncadd.s32 $0xFFFFC000  }
0x4f: {  	_ =	swait.ge [sflag:s25], $0x4000  }
0x50: {  	[sflag:s25] =	ssyncset.done $0x0  }
0x51: {  	[sflag:s25] =	ssyncadd.s32 $0xFFFFC000  }
0x52: {  	_ =	sfence.sel $0x180000  }
0x53: {  	[bflag:$0x0] =	sbarrier.arrive $0xFFFF  }
0x54: {  	_ =	strace $0x90000047  }
0x55: {  	[bflag:$0x2] =	sbarrier.arrive $0xFFFF  }
0x56: {  	s0 =	rddreg [dreg:$0x4]  }
0x57: {  	s0 =	sadd.s32 @!p0 $0x100000, s0  }
0x58: {  	[sflag:s0] =	ssyncadd.tile.s32 @!p0 $0x1;
	_ =	shalt  }
.Lfunc_end2:
_tile_overlayer_lowered:
.L_overlay_start_2:
0x59: {  	(tag) =	ssettag $0x2  }
0x5a: {  	s0 =	rddreg [dreg:$0x0];
	s2 =	stileid.u32  }
0x5b: {  	s1 =	rddreg [dreg:$0x1];
	p0 =	sne.s32 s2, $0x0  }
0x5c: {  	s3 =	rddreg [dreg:$0x2];
	[bflag:$0x3] =	sbarrier.arrive $0xFFFF;
	s2 =	simm.s32 @!p0 $0x1C09  }
0x5d: {  	[timem:s3], [sflag:s2] =	dma.local @!p0 [hbm:s0], s1  }
0x5e: {  	s0 =	simm.s32 @!p0 $0x9  }
0x5f: {  	_ =	swait.ge @!p0 [sflag:s0], s1  }
0x60: {  	s1 =	ssub.s32 @!p0 $0x0, s1;
	[sflag:s0] =	ssyncset.done @!p0 $0x0  }
0x61: {  	[sflag:s0] =	ssyncadd.s32 @!p0 s1  }
0x62: {  	[bflag:$0x3] =	sbarrier.arrive $0xFFFF  }
0x63: {  	_ =	shalt  }

</sc_bundles>
